<compile_context>
chip_gen: v7x
topology: tpu7x:2x2x1
jax: 0.10.2.dev20260603
libtpu: 0.0.44.dev20260713+nightly
codegen_flags: <defaults>
</compile_context>

<pallas_src>
import functools

import jax
import jax.numpy as jnp
from jax import lax
from jax.experimental import pallas as pl
from jax.experimental.pallas import tpu as pltpu
from jax.experimental.pallas import tpu_sc as plsc

CAPACITY_FACTOR = 0.5


def _plan_body(x_ref, wsw_ref, bsw_ref, tfs_ref, src_ref, ybig_ref,
               counts_ref, tfs_acc_ref, *, blk, nblk, e, cap):
    i = pl.program_id(0)
    n = blk * nblk

    @pl.when(i == 0)
    def _init():
        counts_ref[...] = jnp.zeros_like(counts_ref)
        tfs_acc_ref[...] = jnp.zeros_like(tfs_acc_ref)

    xb = x_ref[...]
    ybig_ref[...] = xb
    logits = lax.dot_general(
        xb, wsw_ref[...], (((1,), (1,)), ((), ())),
        preferred_element_type=jnp.float32) + bsw_ref[...]
    e_iota = lax.broadcasted_iota(jnp.int32, (blk, e), 1)
    mx = jnp.max(logits, axis=1, keepdims=True)
    routes = jnp.min(jnp.where(logits == mx, e_iota, e), axis=1)
    onehot = (e_iota == routes[:, None]).astype(jnp.float32)

    r_iota = lax.broadcasted_iota(jnp.int32, (blk, blk), 0)
    c_iota = lax.broadcasted_iota(jnp.int32, (blk, blk), 1)
    tril = (r_iota > c_iota).astype(jnp.float32)
    prefix = lax.dot_general(
        tril, onehot, (((1,), (0,)), ((), ())),
        preferred_element_type=jnp.float32)
    posf = jnp.sum(onehot * (prefix + counts_ref[...]), axis=1)
    pos = posf.astype(jnp.int32)
    counts_ref[...] = counts_ref[...] + jnp.sum(onehot, axis=0, keepdims=True)

    kept = pos < cap
    slot = routes * cap + jnp.minimum(pos, cap - 1)
    t_ids = i * blk + lax.broadcasted_iota(jnp.int32, (blk,), 0)
    src_ref[...] = jnp.where(kept, n + slot, t_ids).reshape(1, 1, blk)

    p_iota = lax.broadcasted_iota(jnp.int32, (blk, cap), 1)
    ohpos = (p_iota == pos[:, None]).astype(jnp.float32)
    hi = (t_ids // 256).astype(jnp.float32)
    lo = (t_ids % 256).astype(jnp.float32)
    onehot_t = (lax.broadcasted_iota(jnp.int32, (e, blk), 0) ==
                routes[None, :]).astype(jnp.float32)
    lhs = jnp.concatenate(
        [onehot_t * hi[None, :], onehot_t * lo[None, :]], axis=0)
    tfs_acc_ref[...] += lax.dot_general(
        lhs, ohpos, (((1,), (0,)), ((), ())),
        preferred_element_type=jnp.float32)

    @pl.when(i == nblk - 1)
    def _fin():
        tfs_ref[...] = (256.0 * tfs_acc_ref[:e] +
                        tfs_acc_ref[e:]).reshape(1, e * cap).astype(jnp.int32)


def _build_plan(n, d, e, cap, blk=1024):
    nblk = n // blk
    return pl.pallas_call(
        functools.partial(_plan_body, blk=blk, nblk=nblk, e=e, cap=cap),
        grid=(nblk,),
        in_specs=[
            pl.BlockSpec((blk, d), lambda i: (i, 0)),
            pl.BlockSpec((e, d), lambda i: (0, 0)),
            pl.BlockSpec((1, e), lambda i: (0, 0)),
        ],
        out_specs=[
            pl.BlockSpec((1, e * cap), lambda i: (0, 0)),
            pl.BlockSpec((1, 1, blk), lambda i: (i, 0, 0)),
            pl.BlockSpec((blk, d), lambda i: (i, 0)),
        ],
        out_shape=[
            jax.ShapeDtypeStruct((1, e * cap), jnp.int32),
            jax.ShapeDtypeStruct((nblk, 1, blk), jnp.int32),
            jax.ShapeDtypeStruct((n + e * cap, d), jnp.float32),
        ],
        scratch_shapes=[
            pltpu.VMEM((1, e), jnp.float32),
            pltpu.VMEM((2 * e, cap), jnp.float32),
        ],
        compiler_params=pltpu.CompilerParams(
            dimension_semantics=("arbitrary",)),
    )


def _ffn_body(x_ref, w1_ref, b1_ref, w2_ref, b2_ref, ybig_in_ref, y_ref):
    del ybig_in_ref
    k = pl.program_id(1)
    xb = x_ref[0].astype(jnp.bfloat16)
    h = jnp.maximum(
        lax.dot_general(xb, w1_ref[0].astype(jnp.bfloat16),
                        (((1,), (0,)), ((), ())),
                        preferred_element_type=jnp.float32) + b1_ref[0],
        0.0).astype(jnp.bfloat16)
    contrib = lax.dot_general(
        h, w2_ref[0].astype(jnp.bfloat16), (((1,), (0,)), ((), ())),
        preferred_element_type=jnp.float32)

    @pl.when(k == 0)
    def _first():
        y_ref[...] = contrib + b2_ref[0]

    @pl.when(k != 0)
    def _rest():
        y_ref[...] = y_ref[...] + contrib


def _build_ffn(n, e, cap, d, dff, fblk=1024):
    kblk = dff // fblk
    nblk_off = n // cap
    return pl.pallas_call(
        _ffn_body,
        grid=(e, kblk),
        in_specs=[
            pl.BlockSpec((1, cap, d), lambda ei, k: (ei, 0, 0)),
            pl.BlockSpec((1, d, fblk), lambda ei, k: (ei, 0, k)),
            pl.BlockSpec((1, 1, fblk), lambda ei, k: (ei, 0, k)),
            pl.BlockSpec((1, fblk, d), lambda ei, k: (ei, k, 0)),
            pl.BlockSpec((1, 1, d), lambda ei, k: (ei, 0, 0)),
            pl.BlockSpec(memory_space=pl.ANY),
        ],
        out_specs=pl.BlockSpec((cap, d), lambda ei, k: (nblk_off + ei, 0)),
        out_shape=jax.ShapeDtypeStruct((n + e * cap, d), jnp.float32),
        input_output_aliases={5: 0},
        compiler_params=pltpu.CompilerParams(
            dimension_semantics=("arbitrary", "arbitrary")),
    )


def _build_sc_gather(n_table, n_idx, d, chunk=64):
    info = plsc.get_sparse_core_info()
    nw = info.num_cores * info.num_subcores
    per = n_idx // nw
    n_chunks = per // chunk
    mesh = plsc.VectorSubcoreMesh(core_axis_name="c", subcore_axis_name="s")

    @functools.partial(
        pl.kernel,
        out_type=jax.ShapeDtypeStruct((n_idx, d), jnp.float32),
        mesh=mesh,
        scratch_types=[
            pltpu.VMEM((chunk,), jnp.int32),
            pltpu.VMEM((chunk, d), jnp.float32),
            pltpu.SemaphoreType.DMA,
        ],
    )
    def gather(table_hbm, idx_hbm, out_hbm, idx_v, rows_v, sem):
        wid = lax.axis_index("s") * info.num_cores + lax.axis_index("c")
        for g in range(n_chunks):
            base = wid * per + g * chunk
            pltpu.sync_copy(idx_hbm.at[pl.ds(base, chunk)], idx_v)
            pltpu.async_copy(table_hbm.at[idx_v], rows_v, sem).wait()
            pltpu.sync_copy(rows_v, out_hbm.at[pl.ds(base, chunk)])

    return gather


def kernel(x, Wsw, bsw, W1, b1, W2, b2):
    b, s, d = x.shape
    n = b * s
    e = Wsw.shape[0]
    dff = W1.shape[2]
    cap = int(CAPACITY_FACTOR * n / e)

    xf = x.reshape(n, d)
    tfs2d, src3d, ybig0 = _build_plan(n, d, e, cap)(xf, Wsw, bsw.reshape(1, e))

    buf = _build_sc_gather(n, e * cap, d)(xf, tfs2d.reshape(e * cap))
    ybig = _build_ffn(n, e, cap, d, dff)(
        buf.reshape(e, cap, d), W1, b1.reshape(e, 1, dff), W2,
        b2.reshape(e, 1, d), ybig0)
    out = _build_sc_gather(n + e * cap, n, d)(ybig, src3d.reshape(n))
    return out.reshape(b, s, d)

# --- scband reference (transcript-rebuilt; emitter-appended) ---
"""Pipeline reference for scband-mo-eblock-43069932044301 (READ-ONLY COPY).

The authoritative reference and input builder live on the scoring server;
editing this copy changes nothing except your own understanding.
"""

import jax, jax.numpy as jnp
import numpy as np

B, S, D_MODEL = 2, 2048, 1024
D_FF = 2048
N_EXPERTS = 8
CAPACITY_FACTOR = 0.5


def setup_inputs(seed: int = 0) -> dict:
    key = jax.random.key(seed)
    ks = jax.random.split(key, 8)
    x = jax.random.normal(ks[0], (B, S, D_MODEL), dtype=jnp.float32)
    Wsw = jax.random.normal(ks[1], (N_EXPERTS, D_MODEL), dtype=jnp.float32) * (D_MODEL ** -0.5)
    bsw = jnp.zeros((N_EXPERTS,), dtype=jnp.float32)
    W1 = jax.random.normal(ks[2], (N_EXPERTS, D_MODEL, D_FF), dtype=jnp.float32) * (D_MODEL ** -0.5)
    b1 = jnp.zeros((N_EXPERTS, D_FF), dtype=jnp.float32)
    W2 = jax.random.normal(ks[3], (N_EXPERTS, D_FF, D_MODEL), dtype=jnp.float32) * (D_FF ** -0.5)
    b2 = jnp.zeros((N_EXPERTS, D_MODEL), dtype=jnp.float32)
    return {"x": x, "Wsw": Wsw, "bsw": bsw, "W1": W1, "b1": b1, "W2": W2, "b2": b2}


def reference(x, Wsw, bsw, W1, b1, W2, b2):
    b, s, d = x.shape
    n = b * s
    e = Wsw.shape[0]
    capacity = int(CAPACITY_FACTOR * n / e)
    xf = x.reshape(n, d)
    # router (switch): linear + softmax, top-1
    logits = xf @ Wsw.T + bsw
    probs = jax.nn.softmax(logits, axis=-1)
    p_max = jnp.max(probs, axis=-1)
    routes = jnp.argmax(probs, axis=-1)
    # position of each token within its expert's queue (deterministic order)
    one_hot = jax.nn.one_hot(routes, e, dtype=jnp.int32)
    pos = jnp.cumsum(one_hot, axis=0) - 1  # [n, e]
    pos_tok = jnp.take_along_axis(pos, routes[:, None], axis=1)[:, 0]
    kept = pos_tok < capacity  # tokens beyond capacity are dropped (identity)
    # dispatch kept tokens into per-expert buffers [e, capacity, d]
    buf = jnp.zeros((e, capacity, d), dtype=xf.dtype).at[routes, pos_tok].set(xf, mode='drop')
    # expert FFNs: Linear -> ReLU -> Linear
    h = jax.nn.relu(jnp.einsum('ecd,edf->ecf', buf, W1) + b1[:, None, :])
    y = jnp.einsum('ecf,efd->ecd', h, W2) + b2[:, None, :]
    # combine: gather expert outputs back; dropped tokens pass through unchanged
    gathered = y[routes, jnp.clip(pos_tok, 0, capacity - 1)]
    out = jnp.where(kept[:, None], gathered, xf)
    # is_scale_prob=False branch: multiply by p / stop_gradient(p) (forward value 1)
    scale = p_max / jax.lax.stop_gradient(p_max)
    out = out * scale[:, None]
    return out.reshape(b, s, d)

if __name__ == "__main__":
    import jax
    _d = setup_inputs()
    print(jax.jit(kernel)(*tuple(_d.values())))

</pallas_src>

<mosaic_0001>
#map = affine_map<(d0, d1) -> (0, 0)>
#map1 = affine_map<(d0, d1) -> (0)>
module attributes {stable_mosaic.version = 14 : i64} {
  func.func @gather(%arg0: i32, %arg1: i32, %arg2: memref<6144x1024xf32, #tpu.memory_space<hbm>>, %arg3: memref<4096xi32, #tpu.memory_space<hbm>>, %arg4: memref<4096x1024xf32, #tpu.memory_space<hbm>>, %arg5: memref<64xi32, #tpu.memory_space<vmem>>, %arg6: memref<64x1024xf32, #tpu.memory_space<vmem>>, %arg7: memref<!tpu.dma_semaphore, #tpu.memory_space<semaphore_mem>>) attributes {dimension_semantics = [#tpu.dimension_semantics<core_parallel>, #tpu.dimension_semantics<subcore_parallel>], iteration_bounds = array<i64: 2, 16>, scalar_prefetch = 0 : i64, scratch_operands = 3 : i64, tpu.core_type = #tpu.core_type<sc_vector_subcore>, window_params = [{transform_indices = #map}, {transform_indices = #map1}, {transform_indices = #map}]} {
    %mul3A = arith.constant 2 : i32
    %mul3A_0 = arith.muli %arg1, %mul3A : i32
    %add3A = arith.addi %mul3A_0, %arg0 : i32
    %mul3A_1 = arith.constant 128 : i32
    %mul3A_2 = arith.muli %add3A, %mul3A_1 : i32
    %add3A_3 = arith.constant 0 : i32
    %add3A_4 = arith.addi %mul3A_2, %add3A_3 : i32
    "tpu.region"() ({
      %run_scoped3A = tpu.sem_alloc : memref<!tpu.dma_semaphore, #tpu.memory_space<semaphore_mem>>
      %dma_start3A_19 = tpu.memref_slice %arg3[%add3A_4] : memref<4096xi32, #tpu.memory_space<hbm>> -> memref<64xi32, #tpu.memory_space<hbm>>
      %dma_start3A_20 = tpu.memref_slice %arg3[%add3A_4] : memref<4096xi32, #tpu.memory_space<hbm>> -> memref<64xi32, #tpu.memory_space<hbm>>
      tpu.enqueue_dma source(%dma_start3A_20 : memref<64xi32, #tpu.memory_space<hbm>>) target(%arg5 : memref<64xi32, #tpu.memory_space<vmem>>) target_semaphore(%run_scoped3A : memref<!tpu.dma_semaphore, #tpu.memory_space<semaphore_mem>>)
      %dma_wait3A_21 = tpu.memref_slice %arg3[%add3A_4] : memref<4096xi32, #tpu.memory_space<hbm>> -> memref<64xi32, #tpu.memory_space<hbm>>
      %dma_wait3A_22 = tpu.memref_slice %arg3[%add3A_4] : memref<4096xi32, #tpu.memory_space<hbm>> -> memref<64xi32, #tpu.memory_space<hbm>>
      tpu.wait_dma2 semaphore(%run_scoped3A : memref<!tpu.dma_semaphore, #tpu.memory_space<semaphore_mem>>) src(%dma_wait3A_22 : memref<64xi32, #tpu.memory_space<hbm>>) dst(%arg5 : memref<64xi32, #tpu.memory_space<vmem>>)
      tpu.yield
    }) : () -> ()
    %dma_start3A = arith.constant 0 : i32
    %dma_start3A_5 = arith.constant 0 : i32
    %dma_start3A_6 = tpu.memref_slice %arg2[%dma_start3A, %dma_start3A_5] : memref<6144x1024xf32, #tpu.memory_space<hbm>> -> memref<6144x1024xf32, #tpu.memory_space<hbm>>
    tpu.enqueue_indirect_dma source(%dma_start3A_6 : memref<6144x1024xf32, #tpu.memory_space<hbm>>) target(%arg6 : memref<64x1024xf32, #tpu.memory_space<vmem>>) offsets(%arg5 : memref<64xi32, #tpu.memory_space<vmem>>) semaphore(%arg7 : memref<!tpu.dma_semaphore, #tpu.memory_space<semaphore_mem>>)
    %dma_wait3A = arith.constant 0 : i32
    %dma_wait3A_7 = arith.constant 0 : i32
    %dma_wait3A_8 = tpu.memref_slice %arg2[%dma_wait3A, %dma_wait3A_7] : memref<6144x1024xf32, #tpu.memory_space<hbm>> -> memref<6144x1024xf32, #tpu.memory_space<hbm>>
    tpu.wait_indirect_dma semaphore(%arg7 : memref<!tpu.dma_semaphore, #tpu.memory_space<semaphore_mem>>) src(%dma_wait3A_8 : memref<6144x1024xf32, #tpu.memory_space<hbm>>) dst(%arg6 : memref<64x1024xf32, #tpu.memory_space<vmem>>)
    "tpu.region"() ({
      %run_scoped3A = tpu.sem_alloc : memref<!tpu.dma_semaphore, #tpu.memory_space<semaphore_mem>>
      %dma_start3A_19 = arith.constant 0 : i32
      %dma_start3A_20 = tpu.memref_slice %arg4[%add3A_4, %dma_start3A_19] : memref<4096x1024xf32, #tpu.memory_space<hbm>> -> memref<64x1024xf32, #tpu.memory_space<hbm>>
      %dma_start3A_21 = arith.constant 0 : i32
      %dma_start3A_22 = tpu.memref_slice %arg4[%add3A_4, %dma_start3A_21] : memref<4096x1024xf32, #tpu.memory_space<hbm>> -> memref<64x1024xf32, #tpu.memory_space<hbm>>
      tpu.enqueue_dma source(%arg6 : memref<64x1024xf32, #tpu.memory_space<vmem>>) target(%dma_start3A_22 : memref<64x1024xf32, #tpu.memory_space<hbm>>) target_semaphore(%run_scoped3A : memref<!tpu.dma_semaphore, #tpu.memory_space<semaphore_mem>>)
      %dma_wait3A_23 = arith.constant 0 : i32
      %dma_wait3A_24 = tpu.memref_slice %arg4[%add3A_4, %dma_wait3A_23] : memref<4096x1024xf32, #tpu.memory_space<hbm>> -> memref<64x1024xf32, #tpu.memory_space<hbm>>
      %dma_wait3A_25 = arith.constant 0 : i32
      %dma_wait3A_26 = tpu.memref_slice %arg4[%add3A_4, %dma_wait3A_25] : memref<4096x1024xf32, #tpu.memory_space<hbm>> -> memref<64x1024xf32, #tpu.memory_space<hbm>>
      tpu.wait_dma2 semaphore(%run_scoped3A : memref<!tpu.dma_semaphore, #tpu.memory_space<semaphore_mem>>) src(%arg6 : memref<64x1024xf32, #tpu.memory_space<vmem>>) dst(%dma_wait3A_26 : memref<64x1024xf32, #tpu.memory_space<hbm>>)
      tpu.yield
    }) : () -> ()
    %mul3A_9 = arith.constant 128 : i32
    %mul3A_10 = arith.muli %add3A, %mul3A_9 : i32
    %add3A_11 = arith.constant 64 : i32
    %add3A_12 = arith.addi %mul3A_10, %add3A_11 : i32
    "tpu.region"() ({
      %run_scoped3A = tpu.sem_alloc : memref<!tpu.dma_semaphore, #tpu.memory_space<semaphore_mem>>
      %dma_start3A_19 = tpu.memref_slice %arg3[%add3A_12] : memref<4096xi32, #tpu.memory_space<hbm>> -> memref<64xi32, #tpu.memory_space<hbm>>
      %dma_start3A_20 = tpu.memref_slice %arg3[%add3A_12] : memref<4096xi32, #tpu.memory_space<hbm>> -> memref<64xi32, #tpu.memory_space<hbm>>
      tpu.enqueue_dma source(%dma_start3A_20 : memref<64xi32, #tpu.memory_space<hbm>>) target(%arg5 : memref<64xi32, #tpu.memory_space<vmem>>) target_semaphore(%run_scoped3A : memref<!tpu.dma_semaphore, #tpu.memory_space<semaphore_mem>>)
      %dma_wait3A_21 = tpu.memref_slice %arg3[%add3A_12] : memref<4096xi32, #tpu.memory_space<hbm>> -> memref<64xi32, #tpu.memory_space<hbm>>
      %dma_wait3A_22 = tpu.memref_slice %arg3[%add3A_12] : memref<4096xi32, #tpu.memory_space<hbm>> -> memref<64xi32, #tpu.memory_space<hbm>>
      tpu.wait_dma2 semaphore(%run_scoped3A : memref<!tpu.dma_semaphore, #tpu.memory_space<semaphore_mem>>) src(%dma_wait3A_22 : memref<64xi32, #tpu.memory_space<hbm>>) dst(%arg5 : memref<64xi32, #tpu.memory_space<vmem>>)
      tpu.yield
    }) : () -> ()
    %dma_start3A_13 = arith.constant 0 : i32
    %dma_start3A_14 = arith.constant 0 : i32
    %dma_start3A_15 = tpu.memref_slice %arg2[%dma_start3A_13, %dma_start3A_14] : memref<6144x1024xf32, #tpu.memory_space<hbm>> -> memref<6144x1024xf32, #tpu.memory_space<hbm>>
    tpu.enqueue_indirect_dma source(%dma_start3A_15 : memref<6144x1024xf32, #tpu.memory_space<hbm>>) target(%arg6 : memref<64x1024xf32, #tpu.memory_space<vmem>>) offsets(%arg5 : memref<64xi32, #tpu.memory_space<vmem>>) semaphore(%arg7 : memref<!tpu.dma_semaphore, #tpu.memory_space<semaphore_mem>>)
    %dma_wait3A_16 = arith.constant 0 : i32
    %dma_wait3A_17 = arith.constant 0 : i32
    %dma_wait3A_18 = tpu.memref_slice %arg2[%dma_wait3A_16, %dma_wait3A_17] : memref<6144x1024xf32, #tpu.memory_space<hbm>> -> memref<6144x1024xf32, #tpu.memory_space<hbm>>
    tpu.wait_indirect_dma semaphore(%arg7 : memref<!tpu.dma_semaphore, #tpu.memory_space<semaphore_mem>>) src(%dma_wait3A_18 : memref<6144x1024xf32, #tpu.memory_space<hbm>>) dst(%arg6 : memref<64x1024xf32, #tpu.memory_space<vmem>>)
    "tpu.region"() ({
      %run_scoped3A = tpu.sem_alloc : memref<!tpu.dma_semaphore, #tpu.memory_space<semaphore_mem>>
      %dma_start3A_19 = arith.constant 0 : i32
      %dma_start3A_20 = tpu.memref_slice %arg4[%add3A_12, %dma_start3A_19] : memref<4096x1024xf32, #tpu.memory_space<hbm>> -> memref<64x1024xf32, #tpu.memory_space<hbm>>
      %dma_start3A_21 = arith.constant 0 : i32
      %dma_start3A_22 = tpu.memref_slice %arg4[%add3A_12, %dma_start3A_21] : memref<4096x1024xf32, #tpu.memory_space<hbm>> -> memref<64x1024xf32, #tpu.memory_space<hbm>>
      tpu.enqueue_dma source(%arg6 : memref<64x1024xf32, #tpu.memory_space<vmem>>) target(%dma_start3A_22 : memref<64x1024xf32, #tpu.memory_space<hbm>>) target_semaphore(%run_scoped3A : memref<!tpu.dma_semaphore, #tpu.memory_space<semaphore_mem>>)
      %dma_wait3A_23 = arith.constant 0 : i32
      %dma_wait3A_24 = tpu.memref_slice %arg4[%add3A_12, %dma_wait3A_23] : memref<4096x1024xf32, #tpu.memory_space<hbm>> -> memref<64x1024xf32, #tpu.memory_space<hbm>>
      %dma_wait3A_25 = arith.constant 0 : i32
      %dma_wait3A_26 = tpu.memref_slice %arg4[%add3A_12, %dma_wait3A_25] : memref<4096x1024xf32, #tpu.memory_space<hbm>> -> memref<64x1024xf32, #tpu.memory_space<hbm>>
      tpu.wait_dma2 semaphore(%run_scoped3A : memref<!tpu.dma_semaphore, #tpu.memory_space<semaphore_mem>>) src(%arg6 : memref<64x1024xf32, #tpu.memory_space<vmem>>) dst(%dma_wait3A_26 : memref<64x1024xf32, #tpu.memory_space<hbm>>)
      tpu.yield
    }) : () -> ()
    return
  }
}

#map = affine_map<(d0, d1) -> (0, 0)>
#map1 = affine_map<(d0, d1) -> (0)>
module attributes {stable_mosaic.version = 14 : i64} {
  func.func @gather(%arg0: i32, %arg1: i32, %arg2: memref<4096x1024xf32, #tpu.memory_space<hbm>>, %arg3: memref<2048xi32, #tpu.memory_space<hbm>>, %arg4: memref<2048x1024xf32, #tpu.memory_space<hbm>>, %arg5: memref<64xi32, #tpu.memory_space<vmem>>, %arg6: memref<64x1024xf32, #tpu.memory_space<vmem>>, %arg7: memref<!tpu.dma_semaphore, #tpu.memory_space<semaphore_mem>>) attributes {dimension_semantics = [#tpu.dimension_semantics<core_parallel>, #tpu.dimension_semantics<subcore_parallel>], iteration_bounds = array<i64: 2, 16>, scalar_prefetch = 0 : i64, scratch_operands = 3 : i64, tpu.core_type = #tpu.core_type<sc_vector_subcore>, window_params = [{transform_indices = #map}, {transform_indices = #map1}, {transform_indices = #map}]} {
    %mul3A = arith.constant 2 : i32
    %mul3A_0 = arith.muli %arg1, %mul3A : i32
    %add3A = arith.addi %mul3A_0, %arg0 : i32
    %mul3A_1 = arith.constant 64 : i32
    %mul3A_2 = arith.muli %add3A, %mul3A_1 : i32
    %add3A_3 = arith.constant 0 : i32
    %add3A_4 = arith.addi %mul3A_2, %add3A_3 : i32
    "tpu.region"() ({
      %run_scoped3A = tpu.sem_alloc : memref<!tpu.dma_semaphore, #tpu.memory_space<semaphore_mem>>
      %dma_start3A_9 = tpu.memref_slice %arg3[%add3A_4] : memref<2048xi32, #tpu.memory_space<hbm>> -> memref<64xi32, #tpu.memory_space<hbm>>
      %dma_start3A_10 = tpu.memref_slice %arg3[%add3A_4] : memref<2048xi32, #tpu.memory_space<hbm>> -> memref<64xi32, #tpu.memory_space<hbm>>
      tpu.enqueue_dma source(%dma_start3A_10 : memref<64xi32, #tpu.memory_space<hbm>>) target(%arg5 : memref<64xi32, #tpu.memory_space<vmem>>) target_semaphore(%run_scoped3A : memref<!tpu.dma_semaphore, #tpu.memory_space<semaphore_mem>>)
      %dma_wait3A_11 = tpu.memref_slice %arg3[%add3A_4] : memref<2048xi32, #tpu.memory_space<hbm>> -> memref<64xi32, #tpu.memory_space<hbm>>
      %dma_wait3A_12 = tpu.memref_slice %arg3[%add3A_4] : memref<2048xi32, #tpu.memory_space<hbm>> -> memref<64xi32, #tpu.memory_space<hbm>>
      tpu.wait_dma2 semaphore(%run_scoped3A : memref<!tpu.dma_semaphore, #tpu.memory_space<semaphore_mem>>) src(%dma_wait3A_12 : memref<64xi32, #tpu.memory_space<hbm>>) dst(%arg5 : memref<64xi32, #tpu.memory_space<vmem>>)
      tpu.yield
    }) : () -> ()
    %dma_start3A = arith.constant 0 : i32
    %dma_start3A_5 = arith.constant 0 : i32
    %dma_start3A_6 = tpu.memref_slice %arg2[%dma_start3A, %dma_start3A_5] : memref<4096x1024xf32, #tpu.memory_space<hbm>> -> memref<4096x1024xf32, #tpu.memory_space<hbm>>
    tpu.enqueue_indirect_dma source(%dma_start3A_6 : memref<4096x1024xf32, #tpu.memory_space<hbm>>) target(%arg6 : memref<64x1024xf32, #tpu.memory_space<vmem>>) offsets(%arg5 : memref<64xi32, #tpu.memory_space<vmem>>) semaphore(%arg7 : memref<!tpu.dma_semaphore, #tpu.memory_space<semaphore_mem>>)
    %dma_wait3A = arith.constant 0 : i32
    %dma_wait3A_7 = arith.constant 0 : i32
    %dma_wait3A_8 = tpu.memref_slice %arg2[%dma_wait3A, %dma_wait3A_7] : memref<4096x1024xf32, #tpu.memory_space<hbm>> -> memref<4096x1024xf32, #tpu.memory_space<hbm>>
    tpu.wait_indirect_dma semaphore(%arg7 : memref<!tpu.dma_semaphore, #tpu.memory_space<semaphore_mem>>) src(%dma_wait3A_8 : memref<4096x1024xf32, #tpu.memory_space<hbm>>) dst(%arg6 : memref<64x1024xf32, #tpu.memory_space<vmem>>)
    "tpu.region"() ({
      %run_scoped3A = tpu.sem_alloc : memref<!tpu.dma_semaphore, #tpu.memory_space<semaphore_mem>>
      %dma_start3A_9 = arith.constant 0 : i32
      %dma_start3A_10 = tpu.memref_slice %arg4[%add3A_4, %dma_start3A_9] : memref<2048x1024xf32, #tpu.memory_space<hbm>> -> memref<64x1024xf32, #tpu.memory_space<hbm>>
      %dma_start3A_11 = arith.constant 0 : i32
      %dma_start3A_12 = tpu.memref_slice %arg4[%add3A_4, %dma_start3A_11] : memref<2048x1024xf32, #tpu.memory_space<hbm>> -> memref<64x1024xf32, #tpu.memory_space<hbm>>
      tpu.enqueue_dma source(%arg6 : memref<64x1024xf32, #tpu.memory_space<vmem>>) target(%dma_start3A_12 : memref<64x1024xf32, #tpu.memory_space<hbm>>) target_semaphore(%run_scoped3A : memref<!tpu.dma_semaphore, #tpu.memory_space<semaphore_mem>>)
      %dma_wait3A_13 = arith.constant 0 : i32
      %dma_wait3A_14 = tpu.memref_slice %arg4[%add3A_4, %dma_wait3A_13] : memref<2048x1024xf32, #tpu.memory_space<hbm>> -> memref<64x1024xf32, #tpu.memory_space<hbm>>
      %dma_wait3A_15 = arith.constant 0 : i32
      %dma_wait3A_16 = tpu.memref_slice %arg4[%add3A_4, %dma_wait3A_15] : memref<2048x1024xf32, #tpu.memory_space<hbm>> -> memref<64x1024xf32, #tpu.memory_space<hbm>>
      tpu.wait_dma2 semaphore(%run_scoped3A : memref<!tpu.dma_semaphore, #tpu.memory_space<semaphore_mem>>) src(%arg6 : memref<64x1024xf32, #tpu.memory_space<vmem>>) dst(%dma_wait3A_16 : memref<64x1024xf32, #tpu.memory_space<hbm>>)
      tpu.yield
    }) : () -> ()
    return
  }
}

module attributes {stable_mosaic.version = 14 : i64} {
  func.func @_plan_body(%arg0: i32, %arg1: memref<1024x1024xf32, #tpu.memory_space<vmem>>, %arg2: memref<8x1024xf32, #tpu.memory_space<vmem>>, %arg3: memref<1x8xf32, #tpu.memory_space<vmem>>, %arg4: memref<1x2048xi32, #tpu.memory_space<vmem>>, %arg5: memref<1x1x1024xi32, #tpu.memory_space<vmem>>, %arg6: memref<1024x1024xf32, #tpu.memory_space<vmem>>, %arg7: memref<1x8xf32, #tpu.memory_space<vmem>>, %arg8: memref<16x256xf32, #tpu.memory_space<vmem>>) attributes {dimension_semantics = [#tpu.dimension_semantics<arbitrary>], iteration_bounds = array<i64: 4>, scalar_prefetch = 0 : i64, scratch_operands = 2 : i64, tpu.core_type = #tpu.core_type<tc>, window_params = [{transform_indices = @transform_0, window_bounds = array<i64: 1024, 1024>}, {pipeline_mode = #tpu.pipeline_mode<synchronous>, transform_indices = @transform_1, window_bounds = array<i64: 8, 1024>}, {pipeline_mode = #tpu.pipeline_mode<synchronous>, transform_indices = @transform_2, window_bounds = array<i64: 1, 8>}, {pipeline_mode = #tpu.pipeline_mode<synchronous>, transform_indices = @transform_3, window_bounds = array<i64: 1, 2048>}, {transform_indices = @transform_4, window_bounds = array<i64: 1, 1, 1024>}, {transform_indices = @transform_5, window_bounds = array<i64: 1024, 1024>}]} {
    %eq3A = arith.constant 0 : i32
    %eq3A_0 = arith.cmpi eq, %arg0, %eq3A : i32
    %convert_element_type3A = arith.extui %eq3A_0 : i1 to i32
    %cond3A = arith.constant 0 : i32
    %cond3A_1 = arith.cmpi ne, %convert_element_type3A, %cond3A : i32
    scf.if %cond3A_1 {
      %broadcast_in_dim3A_150 = arith.constant 0.000000e+00 : f32
      %broadcast_in_dim3A_151 = vector.broadcast %broadcast_in_dim3A_150 : f32 to vector<1x8xf32>
      %swap3A_152 = arith.constant 0 : index
      %swap3A_153 = arith.constant 0 : index
      %swap3A_154 = vector.load %arg7[%swap3A_152, %swap3A_153] : memref<1x8xf32, #tpu.memory_space<vmem>>, vector<1x8xf32>
      tpu.vector_store %arg7[%swap3A_152, %swap3A_153], %broadcast_in_dim3A_151 {strides = array<i32>} : memref<1x8xf32, #tpu.memory_space<vmem>>, vector<1x8xf32>,
      %broadcast_in_dim3A_155 = arith.constant 0.000000e+00 : f32
      %broadcast_in_dim3A_156 = vector.broadcast %broadcast_in_dim3A_155 : f32 to vector<16x256xf32>
      %swap3A_157 = arith.constant 0 : index
      %swap3A_158 = arith.constant 0 : index
      %swap3A_159 = vector.load %arg8[%swap3A_157, %swap3A_158] : memref<16x256xf32, #tpu.memory_space<vmem>>, vector<16x256xf32>
      tpu.vector_store %arg8[%swap3A_157, %swap3A_158], %broadcast_in_dim3A_156 {strides = array<i32>} : memref<16x256xf32, #tpu.memory_space<vmem>>, vector<16x256xf32>,
    } else {
    }
    %get3A = arith.constant 0 : index
    %get3A_2 = arith.constant 0 : index
    %get3A_3 = vector.load %arg1[%get3A, %get3A_2] : memref<1024x1024xf32, #tpu.memory_space<vmem>>, vector<1024x1024xf32>
    %swap3A = arith.constant 0 : index
    %swap3A_4 = arith.constant 0 : index
    %swap3A_5 = vector.load %arg6[%swap3A, %swap3A_4] : memref<1024x1024xf32, #tpu.memory_space<vmem>>, vector<1024x1024xf32>
    tpu.vector_store %arg6[%swap3A, %swap3A_4], %get3A_3 {strides = array<i32>} : memref<1024x1024xf32, #tpu.memory_space<vmem>>, vector<1024x1024xf32>,
    %get3A_6 = arith.constant 0 : index
    %get3A_7 = arith.constant 0 : index
    %get3A_8 = vector.load %arg2[%get3A_6, %get3A_7] : memref<8x1024xf32, #tpu.memory_space<vmem>>, vector<8x1024xf32>
    %dot_general3A = arith.constant dense<0.000000e+00> : vector<1024x8xf32>
    %dot_general3A_9 = tpu.matmul %get3A_3, %get3A_8, %dot_general3A {dimension_numbers = #tpu.dot_dimension_numbers<[1], [1], [0], [0], [0, 0, 1, 0], [], []>, transpose_lhs_hint = false} : vector<1024x1024xf32>, vector<8x1024xf32>, vector<1024x8xf32> -> vector<1024x8xf32>
    %get3A_10 = arith.constant 0 : index
    %get3A_11 = arith.constant 0 : index
    %get3A_12 = vector.load %arg3[%get3A_10, %get3A_11] : memref<1x8xf32, #tpu.memory_space<vmem>>, vector<1x8xf32>
    %add3A = vector.broadcast %get3A_12 : vector<1x8xf32> to vector<1024x8xf32>
    %add3A_13 = arith.addf %dot_general3A_9, %add3A : vector<1024x8xf32>
    %iota3A = tpu.iota {dimensions = array<i32: 1>} : vector<1024x8xi32>
    %reduce_max3A = arith.constant dense<0xFF800000> : vector<1024xf32>
    %reduce_max3A_14 = vector.multi_reduction <maximumf>, %add3A_13, %reduce_max3A [1] : vector<1024x8xf32> to vector<1024xf32>
    %broadcast_in_dim3A = vector.shape_cast %reduce_max3A_14 : vector<1024xf32> to vector<1024x1xf32>
    %eq3A_15 = vector.broadcast %broadcast_in_dim3A : vector<1024x1xf32> to vector<1024x8xf32>
    %eq3A_16 = arith.cmpf oeq, %add3A_13, %eq3A_15 : vector<1024x8xf32>
    %jit3A = arith.constant 8 : i32
    %broadcast_in_dim3A_17 = vector.broadcast %jit3A : i32 to vector<1024x8xi32>
    %select_n3A = arith.select %eq3A_16, %iota3A, %broadcast_in_dim3A_17 : vector<1024x8xi1>, vector<1024x8xi32>
    %reduce_min3A = arith.constant dense<2147483647> : vector<1024xi32>
    %reduce_min3A_18 = vector.multi_reduction <minsi>, %select_n3A, %reduce_min3A [1] : vector<1024x8xi32> to vector<1024xi32>
    %broadcast_in_dim3A_19 = vector.shape_cast %reduce_min3A_18 : vector<1024xi32> to vector<1024x1xi32>
    %eq3A_20 = vector.broadcast %broadcast_in_dim3A_19 : vector<1024x1xi32> to vector<1024x8xi32>
    %eq3A_21 = arith.cmpi eq, %iota3A, %eq3A_20 : vector<1024x8xi32>
    %convert_element_type3A_22 = arith.extui %eq3A_21 : vector<1024x8xi1> to vector<1024x8xi32>
    %convert_element_type3A_23 = arith.sitofp %convert_element_type3A_22 : vector<1024x8xi32> to vector<1024x8xf32>
    %iota3A_24 = tpu.iota {dimensions = array<i32: 0>} : vector<1024x1024xi32>
    %iota3A_25 = tpu.iota {dimensions = array<i32: 1>} : vector<1024x1024xi32>
    %gt3A = arith.cmpi sgt, %iota3A_24, %iota3A_25 : vector<1024x1024xi32>
    %convert_element_type3A_26 = arith.extui %gt3A : vector<1024x1024xi1> to vector<1024x1024xi32>
    %convert_element_type3A_27 = arith.sitofp %convert_element_type3A_26 : vector<1024x1024xi32> to vector<1024x1024xf32>
    %dot_general3A_28 = arith.constant dense<0.000000e+00> : vector<1024x8xf32>
    %dot_general3A_29 = tpu.matmul %convert_element_type3A_27, %convert_element_type3A_23, %dot_general3A_28 {dimension_numbers = #tpu.dot_dimension_numbers<[1], [0], [0], [1], [0, 0, 1, 1], [], []>, transpose_lhs_hint = false} : vector<1024x1024xf32>, vector<1024x8xf32>, vector<1024x8xf32> -> vector<1024x8xf32>
    %get3A_30 = arith.constant 0 : index
    %get3A_31 = arith.constant 0 : index
    %get3A_32 = vector.load %arg7[%get3A_30, %get3A_31] : memref<1x8xf32, #tpu.memory_space<vmem>>, vector<1x8xf32>
    %add3A_33 = vector.broadcast %get3A_32 : vector<1x8xf32> to vector<1024x8xf32>
    %add3A_34 = arith.addf %dot_general3A_29, %add3A_33 : vector<1024x8xf32>
    %mul3A = arith.mulf %convert_element_type3A_23, %add3A_34 : vector<1024x8xf32>
    %reduce_sum3A = arith.constant dense<0.000000e+00> : vector<1024xf32>
    %reduce_sum3A_35 = vector.multi_reduction <add>, %mul3A, %reduce_sum3A [1] : vector<1024x8xf32> to vector<1024xf32>
    %convert_element_type3A_36 = arith.fptosi %reduce_sum3A_35 : vector<1024xf32> to vector<1024xi32>
    %get3A_37 = arith.constant 0 : index
    %get3A_38 = arith.constant 0 : index
    %get3A_39 = vector.load %arg7[%get3A_37, %get3A_38] : memref<1x8xf32, #tpu.memory_space<vmem>>, vector<1x8xf32>
    %reduce_sum3A_40 = arith.constant dense<0.000000e+00> : vector<8xf32>
    %reduce_sum3A_41 = vector.multi_reduction <add>, %convert_element_type3A_23, %reduce_sum3A_40 [0] : vector<1024x8xf32> to vector<8xf32>
    %broadcast_in_dim3A_42 = vector.shape_cast %reduce_sum3A_41 : vector<8xf32> to vector<1x8xf32>
    %add3A_43 = arith.addf %get3A_39, %broadcast_in_dim3A_42 : vector<1x8xf32>
    %swap3A_44 = arith.constant 0 : index
    %swap3A_45 = arith.constant 0 : index
    %swap3A_46 = vector.load %arg7[%swap3A_44, %swap3A_45] : memref<1x8xf32, #tpu.memory_space<vmem>>, vector<1x8xf32>
    tpu.vector_store %arg7[%swap3A_44, %swap3A_45], %add3A_43 {strides = array<i32>} : memref<1x8xf32, #tpu.memory_space<vmem>>, vector<1x8xf32>,
    %lt3A = arith.constant 256 : i32
    %lt3A_47 = vector.broadcast %lt3A : i32 to vector<1024xi32>
    %lt3A_48 = arith.cmpi slt, %convert_element_type3A_36, %lt3A_47 : vector<1024xi32>
    %mul3A_49 = arith.constant 256 : i32
    %mul3A_50 = vector.broadcast %mul3A_49 : i32 to vector<1024xi32>
    %mul3A_51 = arith.muli %reduce_min3A_18, %mul3A_50 : vector<1024xi32>
    %min3A = arith.constant 255 : i32
    %min3A_52 = vector.broadcast %min3A : i32 to vector<1024xi32>
    %min3A_53 = arith.minsi %convert_element_type3A_36, %min3A_52 : vector<1024xi32>
    %add3A_54 = arith.addi %mul3A_51, %min3A_53 : vector<1024xi32>
    %mul3A_55 = arith.constant 1024 : i32
    %mul3A_56 = arith.muli %arg0, %mul3A_55 : i32
    %iota3A_57 = tpu.iota {dimensions = array<i32: 1>} : vector<1x1024xi32>
    %iota3A_58 = vector.shape_cast %iota3A_57 : vector<1x1024xi32> to vector<1024xi32>
    %add3A_59 = vector.broadcast %mul3A_56 : i32 to vector<1024xi32>
    %add3A_60 = arith.addi %add3A_59, %iota3A_58 : vector<1024xi32>
    %add3A_61 = arith.constant 4096 : i32
    %add3A_62 = vector.broadcast %add3A_61 : i32 to vector<1024xi32>
    %add3A_63 = arith.addi %add3A_62, %add3A_54 : vector<1024xi32>
    %select_n3A_64 = arith.select %lt3A_48, %add3A_63, %add3A_60 : vector<1024xi1>, vector<1024xi32>
    %reshape3A = vector.shape_cast %select_n3A_64 : vector<1024xi32> to vector<1x1x1024xi32>
    %swap3A_65 = arith.constant 0 : index
    %swap3A_66 = arith.constant 0 : index
    %swap3A_67 = arith.constant 0 : index
    %swap3A_68 = vector.load %arg5[%swap3A_65, %swap3A_66, %swap3A_67] : memref<1x1x1024xi32, #tpu.memory_space<vmem>>, vector<1x1x1024xi32>
    tpu.vector_store %arg5[%swap3A_65, %swap3A_66, %swap3A_67], %reshape3A {strides = array<i32>} : memref<1x1x1024xi32, #tpu.memory_space<vmem>>, vector<1x1x1024xi32>,
    %iota3A_69 = tpu.iota {dimensions = array<i32: 1>} : vector<1024x256xi32>
    %broadcast_in_dim3A_70 = vector.shape_cast %convert_element_type3A_36 : vector<1024xi32> to vector<1024x1xi32>
    %eq3A_71 = vector.broadcast %broadcast_in_dim3A_70 : vector<1024x1xi32> to vector<1024x256xi32>
    %eq3A_72 = arith.cmpi eq, %iota3A_69, %eq3A_71 : vector<1024x256xi32>
    %convert_element_type3A_73 = arith.extui %eq3A_72 : vector<1024x256xi1> to vector<1024x256xi32>
    %convert_element_type3A_74 = arith.sitofp %convert_element_type3A_73 : vector<1024x256xi32> to vector<1024x256xf32>
    %jit3A_75 = arith.constant 256 : i32
    %div3A = vector.broadcast %jit3A_75 : i32 to vector<1024xi32>
    %div3A_76 = arith.divsi %add3A_60, %div3A : vector<1024xi32>
    %sign3A = arith.constant 0 : i32
    %sign3A_77 = vector.broadcast %sign3A : i32 to vector<1024xi32>
    %sign3A_78 = arith.cmpi sgt, %add3A_60, %sign3A_77 : vector<1024xi32>
    %sign3A_79 = arith.extui %sign3A_78 : vector<1024xi1> to vector<1024xi32>
    %sign3A_80 = arith.constant 0 : i32
    %sign3A_81 = vector.broadcast %sign3A_80 : i32 to vector<1024xi32>
    %sign3A_82 = arith.cmpi slt, %add3A_60, %sign3A_81 : vector<1024xi32>
    %sign3A_83 = arith.extui %sign3A_82 : vector<1024xi1> to vector<1024xi32>
    %sign3A_84 = arith.subi %sign3A_79, %sign3A_83 : vector<1024xi32>
    %sign3A_85 = arith.constant 0 : i32
    %sign3A_86 = arith.cmpi sgt, %jit3A_75, %sign3A_85 : i32
    %sign3A_87 = arith.extui %sign3A_86 : i1 to i32
    %sign3A_88 = arith.constant 0 : i32
    %sign3A_89 = arith.cmpi slt, %jit3A_75, %sign3A_88 : i32
    %sign3A_90 = arith.extui %sign3A_89 : i1 to i32
    %sign3A_91 = arith.subi %sign3A_87, %sign3A_90 : i32
    %ne3A = vector.broadcast %sign3A_91 : i32 to vector<1024xi32>
    %ne3A_92 = arith.cmpi ne, %sign3A_84, %ne3A : vector<1024xi32>
    %rem3A = vector.broadcast %jit3A_75 : i32 to vector<1024xi32>
    %rem3A_93 = arith.remsi %add3A_60, %rem3A : vector<1024xi32>
    %ne3A_94 = arith.constant 0 : i32
    %ne3A_95 = vector.broadcast %ne3A_94 : i32 to vector<1024xi32>
    %ne3A_96 = arith.cmpi ne, %rem3A_93, %ne3A_95 : vector<1024xi32>
    %and3A = arith.andi %ne3A_92, %ne3A_96 : vector<1024xi1>
    %sub3A = arith.constant 1 : i32
    %sub3A_97 = vector.broadcast %sub3A : i32 to vector<1024xi32>
    %sub3A_98 = arith.subi %div3A_76, %sub3A_97 : vector<1024xi32>
    %select_n3A_99 = arith.select %and3A, %sub3A_98, %div3A_76 : vector<1024xi1>, vector<1024xi32>
    %convert_element_type3A_100 = arith.sitofp %select_n3A_99 : vector<1024xi32> to vector<1024xf32>
    %jit3A_101 = arith.constant 256 : i32
    %eq3A_102 = arith.constant 0 : i32
    %eq3A_103 = arith.cmpi eq, %jit3A_101, %eq3A_102 : i32
    %jit3A_104 = arith.constant 1 : i32
    %select_n3A_105 = arith.select %eq3A_103, %jit3A_104, %jit3A_101 : i32
    %rem3A_106 = vector.broadcast %select_n3A_105 : i32 to vector<1024xi32>
    %rem3A_107 = arith.remsi %add3A_60, %rem3A_106 : vector<1024xi32>
    %ne3A_108 = arith.constant 0 : i32
    %ne3A_109 = vector.broadcast %ne3A_108 : i32 to vector<1024xi32>
    %ne3A_110 = arith.cmpi ne, %rem3A_107, %ne3A_109 : vector<1024xi32>
    %lt3A_111 = arith.constant 0 : i32
    %lt3A_112 = vector.broadcast %lt3A_111 : i32 to vector<1024xi32>
    %lt3A_113 = arith.cmpi slt, %rem3A_107, %lt3A_112 : vector<1024xi32>
    %lt3A_114 = arith.constant 0 : i32
    %lt3A_115 = arith.cmpi slt, %select_n3A_105, %lt3A_114 : i32
    %ne3A_116 = vector.broadcast %lt3A_115 : i1 to vector<1024xi1>
    %ne3A_117 = vector.broadcast %ne3A_116 : vector<1024xi1> to vector<1024xi1>
    %ne3A_118 = arith.xori %lt3A_113, %ne3A_117 : vector<1024xi1>
    %and3A_119 = arith.andi %ne3A_118, %ne3A_110 : vector<1024xi1>
    %add3A_120 = vector.broadcast %select_n3A_105 : i32 to vector<1024xi32>
    %add3A_121 = arith.addi %rem3A_107, %add3A_120 : vector<1024xi32>
    %select_n3A_122 = arith.select %and3A_119, %add3A_121, %rem3A_107 : vector<1024xi1>, vector<1024xi32>
    %convert_element_type3A_123 = arith.sitofp %select_n3A_122 : vector<1024xi32> to vector<1024xf32>
    %iota3A_124 = tpu.iota {dimensions = array<i32: 0>} : vector<8x1024xi32>
    %broadcast_in_dim3A_125 = vector.shape_cast %reduce_min3A_18 : vector<1024xi32> to vector<1x1024xi32>
    %eq3A_126 = vector.broadcast %broadcast_in_dim3A_125 : vector<1x1024xi32> to vector<8x1024xi32>
    %eq3A_127 = arith.cmpi eq, %iota3A_124, %eq3A_126 : vector<8x1024xi32>
    %convert_element_type3A_128 = arith.extui %eq3A_127 : vector<8x1024xi1> to vector<8x1024xi32>
    %convert_element_type3A_129 = arith.sitofp %convert_element_type3A_128 : vector<8x1024xi32> to vector<8x1024xf32>
    %broadcast_in_dim3A_130 = vector.shape_cast %convert_element_type3A_100 : vector<1024xf32> to vector<1x1024xf32>
    %mul3A_131 = vector.broadcast %broadcast_in_dim3A_130 : vector<1x1024xf32> to vector<8x1024xf32>
    %mul3A_132 = arith.mulf %convert_element_type3A_129, %mul3A_131 : vector<8x1024xf32>
    %broadcast_in_dim3A_133 = vector.shape_cast %convert_element_type3A_123 : vector<1024xf32> to vector<1x1024xf32>
    %mul3A_134 = vector.broadcast %broadcast_in_dim3A_133 : vector<1x1024xf32> to vector<8x1024xf32>
    %mul3A_135 = arith.mulf %convert_element_type3A_129, %mul3A_134 : vector<8x1024xf32>
    %concatenate3A = tpu.concatenate %mul3A_132, %mul3A_135 in 0 : vector<8x1024xf32>, vector<8x1024xf32> -> vector<16x1024xf32>
    %get3A_136 = arith.constant 0 : index
    %get3A_137 = arith.constant 0 : index
    %get3A_138 = vector.load %arg8[%get3A_136, %get3A_137] : memref<16x256xf32, #tpu.memory_space<vmem>>, vector<16x256xf32>
    %dot_general3A_139 = arith.constant dense<0.000000e+00> : vector<16x256xf32>
    %dot_general3A_140 = tpu.matmul %concatenate3A, %convert_element_type3A_74, %dot_general3A_139 {dimension_numbers = #tpu.dot_dimension_numbers<[1], [0], [0], [1], [0, 0, 1, 1], [], []>, transpose_lhs_hint = false} : vector<16x1024xf32>, vector<1024x256xf32>, vector<16x256xf32> -> vector<16x256xf32>
    %add3A_141 = arith.addf %get3A_138, %dot_general3A_140 : vector<16x256xf32>
    %swap3A_142 = arith.constant 0 : index
    %swap3A_143 = arith.constant 0 : index
    %swap3A_144 = vector.load %arg8[%swap3A_142, %swap3A_143] : memref<16x256xf32, #tpu.memory_space<vmem>>, vector<16x256xf32>
    tpu.vector_store %arg8[%swap3A_142, %swap3A_143], %add3A_141 {strides = array<i32>} : memref<16x256xf32, #tpu.memory_space<vmem>>, vector<16x256xf32>,
    %eq3A_145 = arith.constant 3 : i32
    %eq3A_146 = arith.cmpi eq, %arg0, %eq3A_145 : i32
    %convert_element_type3A_147 = arith.extui %eq3A_146 : i1 to i32
    %cond3A_148 = arith.constant 0 : i32
    %cond3A_149 = arith.cmpi ne, %convert_element_type3A_147, %cond3A_148 : i32
    scf.if %cond3A_149 {
      %get3A_150 = arith.constant 0 : index
      %get3A_151 = arith.constant 0 : index
      %get3A_152 = vector.load %arg8[%get3A_150, %get3A_151] : memref<16x256xf32, #tpu.memory_space<vmem>>, vector<8x256xf32>
      %mul3A_153 = arith.constant 2.560000e+02 : f32
      %mul3A_154 = vector.broadcast %mul3A_153 : f32 to vector<8x256xf32>
      %mul3A_155 = arith.mulf %mul3A_154, %get3A_152 : vector<8x256xf32>
      %get3A_156 = arith.constant 8 : index
      %get3A_157 = arith.constant 0 : index
      %get3A_158 = vector.load %arg8[%get3A_156, %get3A_157] : memref<16x256xf32, #tpu.memory_space<vmem>>, vector<8x256xf32>
      %add3A_159 = arith.addf %mul3A_155, %get3A_158 : vector<8x256xf32>
      %reshape3A_160 = vector.shape_cast %add3A_159 : vector<8x256xf32> to vector<1x2048xf32>
      %convert_element_type3A_161 = arith.fptosi %reshape3A_160 : vector<1x2048xf32> to vector<1x2048xi32>
      %swap3A_162 = arith.constant 0 : index
      %swap3A_163 = arith.constant 0 : index
      %swap3A_164 = vector.load %arg4[%swap3A_162, %swap3A_163] : memref<1x2048xi32, #tpu.memory_space<vmem>>, vector<1x2048xi32>
      tpu.vector_store %arg4[%swap3A_162, %swap3A_163], %convert_element_type3A_161 {strides = array<i32>} : memref<1x2048xi32, #tpu.memory_space<vmem>>, vector<1x2048xi32>,
    } else {
    }
    return
  }
  func.func @transform_0(%arg0: i32) -> (i32, i32) {
    %c0_i32 = arith.constant 0 : i32
    %c0_i32_0 = arith.constant 0 : i32
    return %arg0, %c0_i32 : i32, i32
  }
  func.func @transform_1(%arg0: i32) -> (i32, i32) {
    %c0_i32 = arith.constant 0 : i32
    %c0_i32_0 = arith.constant 0 : i32
    %c0_i32_1 = arith.constant 0 : i32
    return %c0_i32, %c0_i32_0 : i32, i32
  }
  func.func @transform_2(%arg0: i32) -> (i32, i32) {
    %c0_i32 = arith.constant 0 : i32
    %c0_i32_0 = arith.constant 0 : i32
    %c0_i32_1 = arith.constant 0 : i32
    return %c0_i32, %c0_i32_0 : i32, i32
  }
  func.func @transform_3(%arg0: i32) -> (i32, i32) {
    %c0_i32 = arith.constant 0 : i32
    %c0_i32_0 = arith.constant 0 : i32
    %c0_i32_1 = arith.constant 0 : i32
    return %c0_i32, %c0_i32_0 : i32, i32
  }
  func.func @transform_4(%arg0: i32) -> (i32, i32, i32) {
    %c0_i32 = arith.constant 0 : i32
    %c0_i32_0 = arith.constant 0 : i32
    %c0_i32_1 = arith.constant 0 : i32
    return %arg0, %c0_i32, %c0_i32_0 : i32, i32, i32
  }
  func.func @transform_5(%arg0: i32) -> (i32, i32) {
    %c0_i32 = arith.constant 0 : i32
    %c0_i32_0 = arith.constant 0 : i32
    return %arg0, %c0_i32 : i32, i32
  }
}

module attributes {stable_mosaic.version = 14 : i64} {
  func.func @_ffn_body(%arg0: i32, %arg1: i32, %arg2: memref<1x256x1024xf32, #tpu.memory_space<vmem>>, %arg3: memref<1x1024x1024xf32, #tpu.memory_space<vmem>>, %arg4: memref<1x1x1024xf32, #tpu.memory_space<vmem>>, %arg5: memref<1x1024x1024xf32, #tpu.memory_space<vmem>>, %arg6: memref<1x1x1024xf32, #tpu.memory_space<vmem>>, %arg7: memref<6144x1024xf32, #tpu.memory_space<any>>, %arg8: memref<256x1024xf32, #tpu.memory_space<vmem>>) attributes {dimension_semantics = [#tpu.dimension_semantics<arbitrary>, #tpu.dimension_semantics<arbitrary>], iteration_bounds = array<i64: 8, 2>, scalar_prefetch = 0 : i64, scratch_operands = 0 : i64, tpu.core_type = #tpu.core_type<tc>, window_params = [{transform_indices = @transform_0, window_bounds = array<i64: 1, 256, 1024>}, {transform_indices = @transform_1, window_bounds = array<i64: 1, 1024, 1024>}, {transform_indices = @transform_2, window_bounds = array<i64: 1, 1, 1024>}, {transform_indices = @transform_3, window_bounds = array<i64: 1, 1024, 1024>}, {transform_indices = @transform_4, window_bounds = array<i64: 1, 1, 1024>}, {}, {transform_indices = @transform_6, window_bounds = array<i64: 256, 1024>}]} {
    %get3A = arith.constant 0 : index
    %get3A_0 = arith.constant 0 : index
    %get3A_1 = arith.constant 0 : index
    %get3A_2 = vector.load %arg2[%get3A, %get3A_0, %get3A_1] : memref<1x256x1024xf32, #tpu.memory_space<vmem>>, vector<1x256x1024xf32>
    %get3A_3 = vector.shape_cast %get3A_2 : vector<1x256x1024xf32> to vector<256x1024xf32>
    %convert_element_type3A = arith.truncf %get3A_3 : vector<256x1024xf32> to vector<256x1024xbf16>
    %get3A_4 = arith.constant 0 : index
    %get3A_5 = arith.constant 0 : index
    %get3A_6 = arith.constant 0 : index
    %get3A_7 = vector.load %arg3[%get3A_4, %get3A_5, %get3A_6] : memref<1x1024x1024xf32, #tpu.memory_space<vmem>>, vector<1x1024x1024xf32>
    %get3A_8 = vector.shape_cast %get3A_7 : vector<1x1024x1024xf32> to vector<1024x1024xf32>
    %convert_element_type3A_9 = arith.truncf %get3A_8 : vector<1024x1024xf32> to vector<1024x1024xbf16>
    %dot_general3A = arith.constant dense<0.000000e+00> : vector<256x1024xf32>
    %dot_general3A_10 = tpu.matmul %convert_element_type3A, %convert_element_type3A_9, %dot_general3A {dimension_numbers = #tpu.dot_dimension_numbers<[1], [0], [0], [1], [0, 0, 1, 1], [], []>, transpose_lhs_hint = false} : vector<256x1024xbf16>, vector<1024x1024xbf16>, vector<256x1024xf32> -> vector<256x1024xf32>
    %get3A_11 = arith.constant 0 : index
    %get3A_12 = arith.constant 0 : index
    %get3A_13 = arith.constant 0 : index
    %get3A_14 = vector.load %arg4[%get3A_11, %get3A_12, %get3A_13] : memref<1x1x1024xf32, #tpu.memory_space<vmem>>, vector<1x1x1024xf32>
    %get3A_15 = vector.shape_cast %get3A_14 : vector<1x1x1024xf32> to vector<1x1024xf32>
    %add3A = vector.broadcast %get3A_15 : vector<1x1024xf32> to vector<256x1024xf32>
    %add3A_16 = arith.addf %dot_general3A_10, %add3A : vector<256x1024xf32>
    %max3A = arith.constant 0.000000e+00 : f32
    %max3A_17 = vector.broadcast %max3A : f32 to vector<256x1024xf32>
    %max3A_18 = arith.maximumf %add3A_16, %max3A_17 : vector<256x1024xf32>
    %convert_element_type3A_19 = arith.truncf %max3A_18 : vector<256x1024xf32> to vector<256x1024xbf16>
    %get3A_20 = arith.constant 0 : index
    %get3A_21 = arith.constant 0 : index
    %get3A_22 = arith.constant 0 : index
    %get3A_23 = vector.load %arg5[%get3A_20, %get3A_21, %get3A_22] : memref<1x1024x1024xf32, #tpu.memory_space<vmem>>, vector<1x1024x1024xf32>
    %get3A_24 = vector.shape_cast %get3A_23 : vector<1x1024x1024xf32> to vector<1024x1024xf32>
    %convert_element_type3A_25 = arith.truncf %get3A_24 : vector<1024x1024xf32> to vector<1024x1024xbf16>
    %dot_general3A_26 = arith.constant dense<0.000000e+00> : vector<256x1024xf32>
    %dot_general3A_27 = tpu.matmul %convert_element_type3A_19, %convert_element_type3A_25, %dot_general3A_26 {dimension_numbers = #tpu.dot_dimension_numbers<[1], [0], [0], [1], [0, 0, 1, 1], [], []>, transpose_lhs_hint = false} : vector<256x1024xbf16>, vector<1024x1024xbf16>, vector<256x1024xf32> -> vector<256x1024xf32>
    %eq3A = arith.constant 0 : i32
    %eq3A_28 = arith.cmpi eq, %arg1, %eq3A : i32
    %convert_element_type3A_29 = arith.extui %eq3A_28 : i1 to i32
    %cond3A = arith.constant 0 : i32
    %cond3A_30 = arith.cmpi ne, %convert_element_type3A_29, %cond3A : i32
    scf.if %cond3A_30 {
      %get3A_35 = arith.constant 0 : index
      %get3A_36 = arith.constant 0 : index
      %get3A_37 = arith.constant 0 : index
      %get3A_38 = vector.load %arg6[%get3A_35, %get3A_36, %get3A_37] : memref<1x1x1024xf32, #tpu.memory_space<vmem>>, vector<1x1x1024xf32>
      %get3A_39 = vector.shape_cast %get3A_38 : vector<1x1x1024xf32> to vector<1x1024xf32>
      %add3A_40 = vector.broadcast %get3A_39 : vector<1x1024xf32> to vector<256x1024xf32>
      %add3A_41 = arith.addf %dot_general3A_27, %add3A_40 : vector<256x1024xf32>
      %swap3A = arith.constant 0 : index
      %swap3A_42 = arith.constant 0 : index
      %swap3A_43 = vector.load %arg8[%swap3A, %swap3A_42] : memref<256x1024xf32, #tpu.memory_space<vmem>>, vector<256x1024xf32>
      tpu.vector_store %arg8[%swap3A, %swap3A_42], %add3A_41 {strides = array<i32>} : memref<256x1024xf32, #tpu.memory_space<vmem>>, vector<256x1024xf32>,
    } else {
    }
    %ne3A = arith.constant 0 : i32
    %ne3A_31 = arith.cmpi ne, %arg1, %ne3A : i32
    %convert_element_type3A_32 = arith.extui %ne3A_31 : i1 to i32
    %cond3A_33 = arith.constant 0 : i32
    %cond3A_34 = arith.cmpi ne, %convert_element_type3A_32, %cond3A_33 : i32
    scf.if %cond3A_34 {
      %get3A_35 = arith.constant 0 : index
      %get3A_36 = arith.constant 0 : index
      %get3A_37 = vector.load %arg8[%get3A_35, %get3A_36] : memref<256x1024xf32, #tpu.memory_space<vmem>>, vector<256x1024xf32>
      %add3A_38 = arith.addf %get3A_37, %dot_general3A_27 : vector<256x1024xf32>
      %swap3A = arith.constant 0 : index
      %swap3A_39 = arith.constant 0 : index
      %swap3A_40 = vector.load %arg8[%swap3A, %swap3A_39] : memref<256x1024xf32, #tpu.memory_space<vmem>>, vector<256x1024xf32>
      tpu.vector_store %arg8[%swap3A, %swap3A_39], %add3A_38 {strides = array<i32>} : memref<256x1024xf32, #tpu.memory_space<vmem>>, vector<256x1024xf32>,
    } else {
    }
    return
  }
  func.func @transform_0(%arg0: i32, %arg1: i32) -> (i32, i32, i32) {
    %c0_i32 = arith.constant 0 : i32
    %c0_i32_0 = arith.constant 0 : i32
    %c0_i32_1 = arith.constant 0 : i32
    return %arg0, %c0_i32, %c0_i32_0 : i32, i32, i32
  }
  func.func @transform_1(%arg0: i32, %arg1: i32) -> (i32, i32, i32) {
    %c0_i32 = arith.constant 0 : i32
    %c0_i32_0 = arith.constant 0 : i32
    return %arg0, %c0_i32, %arg1 : i32, i32, i32
  }
  func.func @transform_2(%arg0: i32, %arg1: i32) -> (i32, i32, i32) {
    %c0_i32 = arith.constant 0 : i32
    %c0_i32_0 = arith.constant 0 : i32
    return %arg0, %c0_i32, %arg1 : i32, i32, i32
  }
  func.func @transform_3(%arg0: i32, %arg1: i32) -> (i32, i32, i32) {
    %c0_i32 = arith.constant 0 : i32
    %c0_i32_0 = arith.constant 0 : i32
    return %arg0, %arg1, %c0_i32 : i32, i32, i32
  }
  func.func @transform_4(%arg0: i32, %arg1: i32) -> (i32, i32, i32) {
    %c0_i32 = arith.constant 0 : i32
    %c0_i32_0 = arith.constant 0 : i32
    %c0_i32_1 = arith.constant 0 : i32
    return %arg0, %c0_i32, %c0_i32_0 : i32, i32, i32
  }
  func.func @transform_6(%arg0: i32, %arg1: i32) -> (i32, i32) {
    %add3A = arith.constant 16 : i32
    %add3A_0 = arith.addi %add3A, %arg0 : i32
    %c0_i32 = arith.constant 0 : i32
    %c0_i32_1 = arith.constant 0 : i32
    return %add3A_0, %c0_i32 : i32, i32
  }
}

</mosaic_0001>

<sc_bundles>
// kernel: kernel.6.cloned.1.call-start
scs
__scs_entry_jumppad:
0x0: {  	(pc) =	sbr.rel $0x88, $3  }
0x1: {  	(tag) =	ssettag $0x0;
	lr =	simm.s32 $0x1  }
0x2: {  	[smem:$0x3F9A] =	sst lr;
	_ =	strace $0xD0000000  }
0x3: {  	_ = 	snop  }
0x4: {  	_ = 	snop  }
0x5: {  	_ = 	snop  }
0x6: {  	_ = 	snop  }
0x7: {  	_ = 	snop  }
__scs_overlays_trampoline_lowered:
0x8: {  	[smem:$0x3FA9] =	sst s0  }
0x9: {  	[smem:$0x3FAA] =	sst s1  }
0xa: {  	[smem:$0x3FAB] =	sst s2  }
0xb: {  	[smem:$0x3FAC] =	sst s3  }
0xc: {  	[smem:$0x3FAD] =	sst s4  }
0xd: {  	[smem:$0x3FAE] =	sst s5  }
0xe: {  	[smem:$0x3FAF] =	sst s6  }
0xf: {  	[smem:$0x3FB0] =	sst s7  }
0x10: {  	[smem:$0x3FB1] =	sst s8  }
0x11: {  	[smem:$0x3FB2] =	sst s9;
	s0 =	simm.s32 @!p0 $0x0  }
0x12: {  	s1 =	sld [smem:$0x3F98];
	s0 =	simm.s32 @p0 $0x1  }
0x13: {  	[smem:$0x3FB3] =	sst s0;
	s0 =	simm.s32 @!p1 $0x0  }
0x14: {  	s2 =	sld [smem:$0x3F97];
	s0 =	simm.s32 @p1 $0x1  }
0x15: {  	[smem:$0x3FB4] =	sst s0;
	s0 =	simm.s32 @!p2 $0x0  }
0x16: {  	s3 =	sld [smem:$0x3FDB];
	s0 =	simm.s32 @p2 $0x1  }
0x17: {  	s4 =	simm.s32 $0x1BF5;
	[smem:$0x3FB6] =	sst s0  }
0x18: {  	s0 =	sld [smem:$0x3F99];
	_ =	swait.ge [sflag:s4], $0x0  }
0x19: {  	s7 =	sld [smem:$0x3F9A]  }
0x1a: {  	s8 =	sadd.s32 $0xFFFFE003, lr  }
0x1b: {  	s9 =	sadd.s32 $0xFFFFFEF7, lr;
	s5 =	simm.s32 $0xFFFFFFFF;
	p2 =	slt.u32 s8, $0xFFFFF086  }
0x1c: {  	p1 =	slt.u32 s9, $0xF7A;
	s5 =	simm.s32 @!p2 $0x0  }
0x1d: {  	s5 =	simm.s32 @p1 $0x1;
	p0 =	seq.s32 s7, s2  }
0x1e: {  	s7 =	smul.u32 @!p0 $0xF7A, s2;
	p2 =	seq.s32 @!p0 s5, $0x0  }
0x1f: {  	s9 =	smul.u32 $0xF7A, s1;
	s8 =	simm.s32 @!p0 $0x1BF5;
	p2 =	por !p2, p0  }
0x20: {  	[sflag:s8] =	ssyncset.s32 @!p0 $0xFFFFF086;
	s6 =	sadd.s32 @!p0 s3, s7;
	s7 =	simm.s32 @!p0 $0x108  }
0x21: {  	s3 =	sadd.s32 s3, s9;
	s6 =	sadd.s32 @!p0 $0x88, s6;
	s7 =	simm.s32 @p2 $0x1082  }
0x22: {  	[simem:s7], [sflag:s8] =	dma.local @!p0 [hbm:s6], $0xF7A  }
0x23: {  	s9 =	sor.u32 $0xD0000000, s2;
	s6 =	simm.s32 $0x108;
	_ =	swait.ge @!p0 [sflag:s8], $0x0  }
0x24: {  	s3 =	sadd.s32 $0x88, s3;
	s6 =	simm.s32 @!p1 $0x1082;
	[sflag:s4] =	ssyncset.s32 $0xFFFFF086  }
0x25: {  	[simem:s6], [sflag:s4] =	dma.local [hbm:s3], $0xF7A  }
0x26: {  	[smem:$0x3F9A] =	sst s1;
	(tag) =	ssettag s2;
	_ =	strace s9  }
0x27: {  	s1 =	sld [smem:$0x3FAA]  }
0x28: {  	s2 =	sld [smem:$0x3FAB]  }
0x29: {  	s4 =	sld [smem:$0x3FAD]  }
0x2a: {  	p0 =	seq.s32 s5, $0x0;
	s5 =	sld [smem:$0x3FAE]  }
0x2b: {  	s6 =	sld [smem:$0x3FAF]  }
0x2c: {  	s7 =	sld [smem:$0x3FB0]  }
0x2d: {  	s3 =	simm.s32 $0x108;
	s8 =	sld [smem:$0x3FB1]  }
0x2e: {  	s3 =	simm.s32 @!p0 $0x1082;
	s9 =	sld [smem:$0x3FB2]  }
0x2f: {  	lr =	sadd.s32 s0, s3;
	s0 =	sld [smem:$0x3FA9]  }
0x30: {  	s3 =	sld [smem:$0x3FAC]  }
0x31: {  	[smem:$0x3FB5] =	sst s10  }
0x32: {  	s10 =	sld [smem:$0x3FB3];
	_ =	sdelay $0x3  }
0x33: {  	p0 =	seq.s32 s10, $0x1;
	s10 =	sld [smem:$0x3FB5];
	_ =	sdelay $0x3  }
0x34: {  	[smem:$0x3FB5] =	sst s10  }
0x35: {  	s10 =	sld [smem:$0x3FB4];
	_ =	sdelay $0x3  }
0x36: {  	p1 =	seq.s32 s10, $0x1;
	s10 =	sld [smem:$0x3FB5];
	_ =	sdelay $0x3  }
0x37: {  	[smem:$0x3FB5] =	sst s10  }
0x38: {  	s10 =	sld [smem:$0x3FB6]  }
0x39: {  	_ = 	snop;
	(pc) =	sbr.ind lr, $3  }
0x3a: {  	_ = 	snop  }
0x3b: {  	_ = 	snop  }
0x3c: {  	p2 =	seq.s32 s10, $0x1;
	s10 =	sld [smem:$0x3FB5]  }
0x3d: {  	_ =	shalt  }
0x3e: {  	_ =	shalt  }
0x3f: {  	_ =	shalt  }
0x40: {  	_ =	shalt  }
0x41: {  	_ =	shalt  }
0x42: {  	_ =	shalt  }
0x43: {  	_ =	shalt  }
0x44: {  	_ =	shalt  }
0x45: {  	_ =	shalt  }
0x46: {  	_ =	shalt  }
0x47: {  	_ =	shalt  }
0x48: {  	_ =	shalt  }
0x49: {  	_ =	shalt  }
0x4a: {  	_ =	shalt  }
0x4b: {  	_ =	shalt  }
0x4c: {  	_ =	shalt  }
0x4d: {  	_ =	shalt  }
0x4e: {  	_ =	shalt  }
0x4f: {  	_ =	shalt  }
0x50: {  	_ =	shalt  }
0x51: {  	_ =	shalt  }
0x52: {  	_ =	shalt  }
0x53: {  	_ =	shalt  }
0x54: {  	_ =	shalt  }
0x55: {  	_ =	shalt  }
0x56: {  	_ =	shalt  }
0x57: {  	_ =	shalt  }
0x58: {  	_ =	shalt  }
0x59: {  	_ =	shalt  }
0x5a: {  	_ =	shalt  }
0x5b: {  	_ =	shalt  }
0x5c: {  	_ =	shalt  }
0x5d: {  	_ =	shalt  }
0x5e: {  	_ =	shalt  }
0x5f: {  	_ =	shalt  }
0x60: {  	_ =	shalt  }
0x61: {  	_ =	shalt  }
0x62: {  	_ =	shalt  }
0x63: {  	_ =	shalt  }
0x64: {  	_ =	shalt  }
0x65: {  	_ =	shalt  }
0x66: {  	_ =	shalt  }
0x67: {  	_ =	shalt  }
0x68: {  	_ =	shalt  }
0x69: {  	_ =	shalt  }
0x6a: {  	_ =	shalt  }
0x6b: {  	_ =	shalt  }
0x6c: {  	_ =	shalt  }
0x6d: {  	_ =	shalt  }
0x6e: {  	_ =	shalt  }
0x6f: {  	_ =	shalt  }
0x70: {  	_ =	shalt  }
0x71: {  	_ =	shalt  }
0x72: {  	_ =	shalt  }
0x73: {  	_ =	shalt  }
0x74: {  	_ =	shalt  }
0x75: {  	_ =	shalt  }
0x76: {  	_ =	shalt  }
0x77: {  	_ =	shalt  }
0x78: {  	_ =	shalt  }
0x79: {  	_ =	shalt  }
0x7a: {  	_ =	shalt  }
0x7b: {  	_ =	shalt  }
0x7c: {  	_ =	shalt  }
0x7d: {  	_ =	shalt  }
0x7e: {  	_ =	shalt  }
0x7f: {  	_ =	shalt  }
0x80: {  	_ =	shalt  }
0x81: {  	_ =	shalt  }
0x82: {  	_ =	shalt  }
0x83: {  	_ =	shalt  }
0x84: {  	_ =	shalt  }
0x85: {  	_ =	shalt  }
0x86: {  	_ =	shalt  }
0x87: {  	_ =	shalt  }
.Lfunc_end0:
.L_simem_size_0:
called_computation_lowered:
.L_overlay_start_0:
0x88: {  	s2 =	sld [smem:$0x3FD9]  }
0x89: {  	s3 =	sld [smem:$0x3FFE];
	_ =	sdelay $0x1  }
0x8a: {  	s1 =	srdreg.scid  }
0x8b: {  	s0 =	sand.u32 $0x1, s1  }
0x8c: {  	s17 =	sshll.u32 s0, $0xA;
	s2 =	sadd.s32 s3, s2  }
0x8d: {  	s2 =	sadd.s32 s2, s17  }
0x8e: {  	[smem:$0x3FC1] =	sst s2  }
0x8f: {  	_ = 	snop  }
0x90: {  	s2 =	sld [smem:$0x3FC9]  }
0x91: {  	s18 =	sld [smem:$0x3FD0];
	(tm) =	ssettm $0x1  }
0x92: {  	s4 =	sld [smem:$0x3FFB];
	_ =	sdelay $0x3  }
0x93: {  	_ =	strace s4  }
0x94: {  	s4 =	sld [smem:$0x3FFC];
	_ =	sdelay $0x3  }
0x95: {  	_ =	strace s4  }
0x96: {  	s4 =	sld [smem:$0x3FFD];
	_ =	sdelay $0x3  }
0x97: {  	_ =	strace s4  }
0x98: {  	_ =	strace $0x8FFFFFFF  }
0x99: {  	s19 =	sld [smem:$0x3FDB];
	_ =	sdelay $0x1  }
0x9a: {  	s5 =	simm.s32 $_scs_section_size  }
0x9b: {  	s6 =	simm.s32 $_size__tile_overlayer_lowered;
	s7 =	simm.s32 $_tile_overlayer_lowered  }
0x9c: {  	s22 =	simm.s32 $0x1BFF;
	s21 =	sshll.u32 s7, $0x1;
	s4 =	sadd.s32 s5, s19  }
0x9d: {  	s8 =	simm.s32 $0x0;
	s20 =	sshll.u32 s6, $0x1;
	s6 =	sadd.s32 s21, s4  }
0x9e: {  	[timem:s8], [sflag:s22] =	dma.local [hbm:s6], s20  }
0x9f: {  	_ =	swait.ge [sflag:s22], s20  }
0xa0: {  	s5 =	ssub.s32 $0x0, s20;
	[sflag:s22] =	ssyncset.done $0x0  }
0xa1: {  	[sflag:s22] =	ssyncadd.s32 s5;
	_ =	sdelay $0x1  }
0xa2: {  	s23 =	simm.s32 $0x1B8B  }
0xa3: {  	_ =	swait.ge [sflag:s23], $0x1  }
0xa4: {  	[sflag:s23] =	ssyncset.done $0x0  }
0xa5: {  	s25 =	simm.s32 $0x1B8E;
	s24 =	sld [smem:$0x3FFE];
	[sflag:s23] =	ssyncadd.s32 $0xFFFFFFFF  }
0xa6: {  	s26 =	simm.s32 $execute0_lowered;
	[smem:$0x3FD2] =	sst s25  }
0xa7: {  	s6 =	sshll.u32 s26, $0x1;
	_ =	strace $0x80000046;
	[dreg:$0x1] =	wrdreg $0xFFFFFFFF  }
0xa8: {  	s28 =	simm.s32 $_size_execute0_lowered;
	s4 =	sadd.s32 s4, s6;
	[dreg:$0x0] =	wrdreg $0x0  }
0xa9: {  	s6 =	sshll.u32 s28, $0x1;
	[dreg:$0x2] =	wrdreg s4  }
0xaa: {  	[dreg:$0x3] =	wrdreg s6  }
0xab: {  	[dreg:$0x4] =	wrdreg $0xC0  }
0xac: {  	_ =	task [dreg:s8], $0x5FFFF  }
0xad: {  	[dreg:$0x1] =	wrdreg $0xFFFFFFFF  }
0xae: {  	[dreg:$0x0] =	wrdreg $0x60  }
0xaf: {  	[dreg:$0x2] =	wrdreg s2  }
0xb0: {  	[dreg:$0x3] =	wrdreg s24  }
0xb1: {  	[dreg:$0x4] =	wrdreg s18  }
0xb2: {  	[dreg:$0x5] =	wrdreg $0x9  }
0xb3: {  	_ =	task.clear_ibuf [dreg:s8], $0x6FFFF;
	_ =	strace $0x90000046  }
0xb4: {  	s29 =	simm.s32 $0x9;
	_ =	strace $0x80000048  }
0xb5: {  	_ =	swait.ge [sflag:s29], $0x1  }
0xb6: {  	[sflag:s29] =	ssyncadd.s32 $0xFFFFFFFF  }
0xb7: {  	_ =	strace $0x90000048  }
0xb8: {  	_ =	sfence  }
0xb9: {  	s30 =	sld [smem:$0x0];
	_ =	sdelay $0x2  }
0xba: {  	s31 =	sshll.u32 s1, $0xD;
	s1 =	sshrl.u32 s1, $0x2  }
0xbb: {  	s3 =	sand.u32 $0x4000, s31;
	s1 =	sadd.s32 s1, s30  }
0xbc: {  	s0 =	sor.u32 s3, s0;
	s1 =	sshll.u32 s1, $0x11  }
0xbd: {  	s0 =	sor.u32 s1, s0  }
0xbe: {  	s0 =	sadd.s32 $0x8F2B, s0  }
0xbf: {  	[sflag:s0] =	ssyncadd.remote.s32 $0x1  }
0xc0: {  	_ =	sfence.sel $0xFFFF  }
0xc1: {  	[dreg:$0x0] =	wrdreg $0xFFFFFFFF;
	(pc) =	sbr.abs _section_cstart, $3  }
0xc2: {  	[dreg:$0x1] =	wrdreg $0xFFFFFFFF  }
0xc3: {  	_ =	task.clear_ibuf [dreg:s8], $0x2FFFF;
	_ =	strace $0x9FFFFFFF  }
0xc4: {  	(tm) =	ssettm $0x7FFFFFFF  }
0xc5: {  	_ =	shalt  }
tec
execute0_lowered:
.L_overlay_start_1:
0x0: {  	(tag) =	ssettag $0x1  }
0x1: {  	s1 =	rddreg [dreg:$0x0]  }
0x2: {  	s2 =	srdreg.scid;
	s4 =	rddreg [dreg:$0x1]  }
0x3: {  	s0 =	stileid.u32;
	s6 =	rddreg [dreg:$0x2];
	s17 =	simm.s32 $0x880  }
0x4: {  	s18 =	simm.s32 $0x1080;
	s19 =	simm.s32 $0x1880;
	s21 =	simm.s32 $0x2080  }
0x5: {  	s22 =	simm.s32 $0x2880;
	s23 =	simm.s32 $0x3080;
	s24 =	simm.s32 $0x3880  }
0x6: {  	s8 =	simm.s32 $0x4080;
	s25 =	simm.s32 $0x4880;
	s2 =	sand.u32 $0x1, s2  }
0x7: {  	s26 =	simm.s32 $0x5080;
	s3 =	sshll.u32 s0, $0x7;
	s5 =	sshll.u32 s2, $0x6  }
0x8: {  	s9 =	simm.s32 $0x80;
	s5 =	sor.u32 s5, s3;
	s3 =	simm.s32 $0x0  }
0x9: {  	s11 =	simm.s32 $0x6080;
	s12 =	simm.s32 $0x6880;
	[smem:$0x7FF] =	sst s3  }
0xa: {  	s13 =	simm.s32 $0x7080;
	_ =	strace $0x80000047;
	[dreg:$0x6] =	wrdreg s17  }
0xb: {  	s14 =	simm.s32 $0x7880;
	s15 =	simm.s32 $0x8080;
	[dreg:$0x7] =	wrdreg s18  }
0xc: {  	s28 =	simm.s32 $0xE080;
	s29 =	simm.s32 $0xE880;
	[dreg:$0x8] =	wrdreg s19  }
0xd: {  	s30 =	simm.s32 $0xF080;
	s2 =	ssub.s32 $0x2, s2;
	[dreg:$0x9] =	wrdreg s21  }
0xe: {  	s31 =	simm.s32 $0xF880;
	s20 =	sshrl.u32 s2, $0x1;
	[dreg:$0xa] =	wrdreg s22  }
0xf: {  	s7 =	sshrl.u32 s5, $0x3;
	s5 =	sshll.u32 s5, $0x7;
	[dreg:$0xb] =	wrdreg s23  }
0x10: {  	s2 =	ssub.s32 s2, s20;
	s20 =	simm.s32 $0xA880;
	[dreg:$0xc] =	wrdreg s24  }
0x11: {  	s4 =	sadd.s32 s7, s4;
	s16 =	sadd.s32 s6, s5;
	[dreg:$0xd] =	wrdreg s8  }
0x12: {  	s5 =	sadd.s32 $0x200, s1;
	s6 =	sadd.s32 $0x300, s1;
	[dreg:$0xe] =	wrdreg s25  }
0x13: {  	s7 =	smax.u32 s2, $0x1;
	s8 =	simm.s32 $0x2;
	[dreg:$0xf] =	wrdreg s26  }
0x14: {  	s17 =	simm.s32 $0x9080;
	s18 =	simm.s32 $0x9880;
	s19 =	simm.s32 $0xA080  }
0x15: {  	s21 =	simm.s32 $0xB080;
	s22 =	simm.s32 $0xB880;
	s23 =	simm.s32 $0xC080  }
0x16: {  	v2 =	vlaneseq.u32;
	s24 =	simm.s32 $0xC880;
	s25 =	simm.s32 $0xD080;
	s26 =	simm.s32 $0xD880  }
0x17: {  	vm0 =	vmmov $0xffff;
	v1 =	vshrl.u32 v2, $0x3;
	s2 =	simm.s32 $0x1;
	s4 =	sadd.s32 $0xC1A00, s4;
	[dreg:$0x5] =	wrdreg s16  }
0x18: {  	v0 =	vand.u32 $0x7, v2;
	v2 =	vor.u32 $0x8, v2;
	v1 =	vmul.u32 $0x8, v1;
	s16 =	simm.s32 $0x8880;
	[dreg:$0x4] =	wrdreg s4;
	s4 =	sadd.s32 $0x100, s1  }
.LBB2_1:
0x19: {  	s0 =	rddreg [dreg:$0x4]  }
0x1a: {  	[tilespmem:s3], [sflag:$0x2] =	stream.linear.gather [hbm4b:s0+s3], $0x40, $0x38;
	[tilespmem:$0x10080] =	vst v63  }
0x1b: {  	_ =	swait.ge [sflag:s8], $0x40  }
0x1c: {  	[sflag:s8] =	ssyncset.done $0x0  }
0x1d: {  	[sflag:s8] =	ssyncadd.s32 $0xFFFFFFC0  }
0x1e: {  	v3 =	vld [tilespmem:$0x0];
	_ =	sdelay $0x4  }
0x1f: {  	v4 =	vshll.u32 v3, $0x3  }
0x20: {  	v3 =	vand.u32 $0x7, v3;
	v4 =	vand.u32 $0xFFFFFFC0, v4  }
0x21: {  	v3 =	vor.u32 v3, v4  }
0x22: {  	v4 =	vperm.xlane v3, v0;
	_ =	sdelay $0x1  }
0x23: {  	v4 =	vadd.s32 v1, v4;
	_ =	sdelay $0x4  }
0x24: {  	[tilespmem:s9], [sflag:$0x1] =	stream.indirect_vreg.gather [hbm4b:s1+s3], $0x80, v4, vm0, $0xb8;
	[tilespmem:$0x10080] =	vst v63  }
0x25: {  	s0 =	rddreg [dreg:$0x6];
	v3 =	vperm.xlane v3, v2  }
0x26: {  	[tilespmem:s0], [sflag:$0x1] =	stream.indirect_vreg.gather [hbm4b:s4+s3], $0x80, v4, vm0, $0xb8;
	[tilespmem:$0x10080] =	vst v63  }
0x27: {  	s10 =	rddreg [dreg:$0x7];
	v3 =	vadd.s32 v1, v3  }
0x28: {  	[tilespmem:s10], [sflag:$0x1] =	stream.indirect_vreg.gather [hbm4b:s5+s3], $0x80, v4, vm0, $0xb8;
	[tilespmem:$0x10080] =	vst v63  }
0x29: {  	s0 =	rddreg [dreg:$0x8]  }
0x2a: {  	[tilespmem:s0], [sflag:$0x1] =	stream.indirect_vreg.gather [hbm4b:s6+s3], $0x80, v4, vm0, $0xb8;
	[tilespmem:$0x10080] =	vst v63  }
0x2b: {  	s10 =	rddreg [dreg:$0x9]  }
0x2c: {  	[tilespmem:s10], [sflag:$0x1] =	stream.indirect_vreg.gather [hbm4b:s1+s3], $0x80, v3, vm0, $0xb8;
	[tilespmem:$0x10080] =	vst v63  }
0x2d: {  	s0 =	rddreg [dreg:$0xa]  }
0x2e: {  	[tilespmem:s0], [sflag:$0x1] =	stream.indirect_vreg.gather [hbm4b:s4+s3], $0x80, v3, vm0, $0xb8;
	[tilespmem:$0x10080] =	vst v63  }
0x2f: {  	s10 =	rddreg [dreg:$0xb]  }
0x30: {  	[tilespmem:s10], [sflag:$0x1] =	stream.indirect_vreg.gather [hbm4b:s5+s3], $0x80, v3, vm0, $0xb8;
	[tilespmem:$0x10080] =	vst v63  }
0x31: {  	s0 =	rddreg [dreg:$0xc]  }
0x32: {  	[tilespmem:s0], [sflag:$0x1] =	stream.indirect_vreg.gather [hbm4b:s6+s3], $0x80, v3, vm0, $0xb8;
	[tilespmem:$0x10080] =	vst v63  }
0x33: {  	v3 =	vld [tilespmem:$0x10];
	_ =	sdelay $0x4  }
0x34: {  	v61 =	vshll.u32 v3, $0x3  }
0x35: {  	v3 =	vand.u32 $0x7, v3;
	v4 =	vand.u32 $0xFFFFFFC0, v61  }
0x36: {  	v3 =	vor.u32 v3, v4  }
0x37: {  	v4 =	vperm.xlane v3, v0;
	_ =	sdelay $0x1  }
0x38: {  	v4 =	vadd.s32 v1, v4;
	_ =	sdelay $0x3  }
0x39: {  	s0 =	rddreg [dreg:$0xd]  }
0x3a: {  	[tilespmem:s0], [sflag:$0x1] =	stream.indirect_vreg.gather [hbm4b:s1+s3], $0x80, v4, vm0, $0xb8;
	[tilespmem:$0x10080] =	vst v63  }
0x3b: {  	s10 =	rddreg [dreg:$0xe];
	v3 =	vperm.xlane v3, v2  }
0x3c: {  	[tilespmem:s10], [sflag:$0x1] =	stream.indirect_vreg.gather [hbm4b:s4+s3], $0x80, v4, vm0, $0xb8;
	[tilespmem:$0x10080] =	vst v63  }
0x3d: {  	v3 =	vadd.s32 v1, v3;
	s0 =	rddreg [dreg:$0xf]  }
0x3e: {  	[tilespmem:s0], [sflag:$0x1] =	stream.indirect_vreg.gather [hbm4b:s5+s3], $0x80, v4, vm0, $0xb8;
	[tilespmem:$0x10080] =	vst v63  }
0x3f: {  	s10 =	simm.s32 $0x5880  }
0x40: {  	[tilespmem:s10], [sflag:$0x1] =	stream.indirect_vreg.gather [hbm4b:s6+s3], $0x80, v4, vm0, $0xb8;
	[tilespmem:$0x10080] =	vst v63  }
0x41: {  	_ = 	snop  }
0x42: {  	[tilespmem:s11], [sflag:$0x1] =	stream.indirect_vreg.gather [hbm4b:s1+s3], $0x80, v3, vm0, $0xb8;
	[tilespmem:$0x10080] =	vst v63  }
0x43: {  	_ = 	snop  }
0x44: {  	[tilespmem:s12], [sflag:$0x1] =	stream.indirect_vreg.gather [hbm4b:s4+s3], $0x80, v3, vm0, $0xb8;
	[tilespmem:$0x10080] =	vst v63  }
0x45: {  	_ = 	snop  }
0x46: {  	[tilespmem:s13], [sflag:$0x1] =	stream.indirect_vreg.gather [hbm4b:s5+s3], $0x80, v3, vm0, $0xb8;
	[tilespmem:$0x10080] =	vst v63  }
0x47: {  	_ = 	snop  }
0x48: {  	[tilespmem:s14], [sflag:$0x1] =	stream.indirect_vreg.gather [hbm4b:s6+s3], $0x80, v3, vm0, $0xb8;
	[tilespmem:$0x10080] =	vst v63  }
0x49: {  	v3 =	vld [tilespmem:$0x20];
	_ =	sdelay $0x4  }
0x4a: {  	v62 =	vshll.u32 v3, $0x3  }
0x4b: {  	v3 =	vand.u32 $0x7, v3;
	v4 =	vand.u32 $0xFFFFFFC0, v62  }
0x4c: {  	v3 =	vor.u32 v3, v4  }
0x4d: {  	v4 =	vperm.xlane v3, v0;
	_ =	sdelay $0x1  }
0x4e: {  	v4 =	vadd.s32 v1, v4;
	_ =	sdelay $0x4  }
0x4f: {  	[tilespmem:s15], [sflag:$0x1] =	stream.indirect_vreg.gather [hbm4b:s1+s3], $0x80, v4, vm0, $0xb8;
	[tilespmem:$0x10080] =	vst v63  }
0x50: {  	v3 =	vperm.xlane v3, v2  }
0x51: {  	[tilespmem:s16], [sflag:$0x1] =	stream.indirect_vreg.gather [hbm4b:s4+s3], $0x80, v4, vm0, $0xb8;
	[tilespmem:$0x10080] =	vst v63  }
0x52: {  	v3 =	vadd.s32 v1, v3  }
0x53: {  	[tilespmem:s17], [sflag:$0x1] =	stream.indirect_vreg.gather [hbm4b:s5+s3], $0x80, v4, vm0, $0xb8;
	[tilespmem:$0x10080] =	vst v63  }
0x54: {  	_ = 	snop  }
0x55: {  	[tilespmem:s18], [sflag:$0x1] =	stream.indirect_vreg.gather [hbm4b:s6+s3], $0x80, v4, vm0, $0xb8;
	[tilespmem:$0x10080] =	vst v63  }
0x56: {  	_ = 	snop  }
0x57: {  	[tilespmem:s19], [sflag:$0x1] =	stream.indirect_vreg.gather [hbm4b:s1+s3], $0x80, v3, vm0, $0xb8;
	[tilespmem:$0x10080] =	vst v63  }
0x58: {  	_ = 	snop  }
0x59: {  	[tilespmem:s20], [sflag:$0x1] =	stream.indirect_vreg.gather [hbm4b:s4+s3], $0x80, v3, vm0, $0xb8;
	[tilespmem:$0x10080] =	vst v63  }
0x5a: {  	_ = 	snop  }
0x5b: {  	[tilespmem:s21], [sflag:$0x1] =	stream.indirect_vreg.gather [hbm4b:s5+s3], $0x80, v3, vm0, $0xb8;
	[tilespmem:$0x10080] =	vst v63  }
0x5c: {  	_ = 	snop  }
0x5d: {  	[tilespmem:s22], [sflag:$0x1] =	stream.indirect_vreg.gather [hbm4b:s6+s3], $0x80, v3, vm0, $0xb8;
	[tilespmem:$0x10080] =	vst v63  }
0x5e: {  	v3 =	vld [tilespmem:$0x30];
	_ =	sdelay $0x4  }
0x5f: {  	v63 =	vshll.u32 v3, $0x3  }
0x60: {  	v3 =	vand.u32 $0x7, v3;
	v4 =	vand.u32 $0xFFFFFFC0, v63  }
0x61: {  	v3 =	vor.u32 v3, v4  }
0x62: {  	v4 =	vperm.xlane v3, v0;
	_ =	sdelay $0x1  }
0x63: {  	v4 =	vadd.s32 v1, v4;
	_ =	sdelay $0x4  }
0x64: {  	[tilespmem:s23], [sflag:$0x1] =	stream.indirect_vreg.gather [hbm4b:s1+s3], $0x80, v4, vm0, $0xb8;
	[tilespmem:$0x10080] =	vst v63  }
0x65: {  	v3 =	vperm.xlane v3, v2  }
0x66: {  	[tilespmem:s24], [sflag:$0x1] =	stream.indirect_vreg.gather [hbm4b:s4+s3], $0x80, v4, vm0, $0xb8;
	[tilespmem:$0x10080] =	vst v63  }
0x67: {  	v3 =	vadd.s32 v1, v3  }
0x68: {  	[tilespmem:s25], [sflag:$0x1] =	stream.indirect_vreg.gather [hbm4b:s5+s3], $0x80, v4, vm0, $0xb8;
	[tilespmem:$0x10080] =	vst v63  }
0x69: {  	_ = 	snop  }
0x6a: {  	[tilespmem:s26], [sflag:$0x1] =	stream.indirect_vreg.gather [hbm4b:s6+s3], $0x80, v4, vm0, $0xb8;
	[tilespmem:$0x10080] =	vst v63  }
0x6b: {  	_ = 	snop  }
0x6c: {  	[tilespmem:s28], [sflag:$0x1] =	stream.indirect_vreg.gather [hbm4b:s1+s3], $0x80, v3, vm0, $0xb8;
	[tilespmem:$0x10080] =	vst v63  }
0x6d: {  	_ = 	snop  }
0x6e: {  	[tilespmem:s29], [sflag:$0x1] =	stream.indirect_vreg.gather [hbm4b:s4+s3], $0x80, v3, vm0, $0xb8;
	[tilespmem:$0x10080] =	vst v63  }
0x6f: {  	_ = 	snop  }
0x70: {  	[tilespmem:s30], [sflag:$0x1] =	stream.indirect_vreg.gather [hbm4b:s5+s3], $0x80, v3, vm0, $0xb8;
	[tilespmem:$0x10080] =	vst v63  }
0x71: {  	_ = 	snop  }
0x72: {  	[tilespmem:s31], [sflag:$0x1] =	stream.indirect_vreg.gather [hbm4b:s6+s3], $0x80, v3, vm0, $0xb8;
	[tilespmem:$0x10080] =	vst v63  }
0x73: {  	_ =	swait.ge [sflag:s2], $0x10000  }
0x74: {  	p0 =	sne.s32 s7, $0x1;
	[sflag:s2] =	ssyncset.done $0x0  }
.Ltmp0:
0x75: {  	s10 =	rddreg [dreg:$0x5];
	[sflag:s2] =	ssyncadd.s32 $0xFFFF0000;
	(pc) =	sbr.rel @p0 .LBB2_1-.Ltmp0, $4  }
0x76: {  	[hbm4b:s10+s3] =	stream.linear.scatter [tilespmem:s9], [sflag:$0x2], $0x10000, $0x38;
	[tilespmem:$0x10080] =	vst v63  }
0x77: {  	_ =	swait.ge [sflag:s8], $0x10000  }
0x78: {  	[sflag:s8] =	ssyncset.done $0x0  }
0x79: {  	s7 =	sadd.s32 $0xFFFFFFFF, s7;
	[sflag:s8] =	ssyncadd.s32 $0xFFFF0000  }
0x7a: {  	_ =	sfence.sel $0x180000  }
0x7b: {  	[bflag:$0x0] =	sbarrier.arrive $0xFFFF  }
0x7c: {  	_ =	strace $0x90000047  }
0x7d: {  	s0 =	stileid.u32;
	[bflag:$0x2] =	sbarrier.arrive $0xFFFF  }
0x7e: {  	p0 =	sne.s32 s0, $0x0;
	s0 =	rddreg [dreg:$0x3]  }
0x7f: {  	s0 =	sadd.s32 @!p0 $0x100000, s0  }
0x80: {  	[sflag:s0] =	ssyncadd.tile.s32 @!p0 $0x1;
	_ =	shalt  }
.Lfunc_end2:
_tile_overlayer_lowered:
.L_overlay_start_2:
0x81: {  	(tag) =	ssettag $0x2  }
0x82: {  	s0 =	rddreg [dreg:$0x0];
	s2 =	stileid.u32  }
0x83: {  	s1 =	rddreg [dreg:$0x1];
	p0 =	sne.s32 s2, $0x0  }
0x84: {  	s3 =	rddreg [dreg:$0x2];
	[bflag:$0x3] =	sbarrier.arrive $0xFFFF;
	s2 =	simm.s32 @!p0 $0x1C02  }
0x85: {  	[timem:s3], [sflag:s2] =	dma.local @!p0 [hbm:s0], s1  }
0x86: {  	s0 =	simm.s32 @!p0 $0x2  }
0x87: {  	_ =	swait.ge @!p0 [sflag:s0], s1  }
0x88: {  	s1 =	ssub.s32 @!p0 $0x0, s1;
	[sflag:s0] =	ssyncset.done @!p0 $0x0  }
0x89: {  	[sflag:s0] =	ssyncadd.s32 @!p0 s1  }
0x8a: {  	[bflag:$0x3] =	sbarrier.arrive $0xFFFF  }
0x8b: {  	_ =	shalt  }

// kernel: kernel.9.cloned.1.call-start
scs
__scs_entry_jumppad:
0x0: {  	(pc) =	sbr.rel $0x88, $3  }
0x1: {  	(tag) =	ssettag $0x0;
	lr =	simm.s32 $0x1  }
0x2: {  	[smem:$0x3F9A] =	sst lr;
	_ =	strace $0xD0000000  }
0x3: {  	_ = 	snop  }
0x4: {  	_ = 	snop  }
0x5: {  	_ = 	snop  }
0x6: {  	_ = 	snop  }
0x7: {  	_ = 	snop  }
__scs_overlays_trampoline_lowered:
0x8: {  	[smem:$0x3FA9] =	sst s0  }
0x9: {  	[smem:$0x3FAA] =	sst s1  }
0xa: {  	[smem:$0x3FAB] =	sst s2  }
0xb: {  	[smem:$0x3FAC] =	sst s3  }
0xc: {  	[smem:$0x3FAD] =	sst s4  }
0xd: {  	[smem:$0x3FAE] =	sst s5  }
0xe: {  	[smem:$0x3FAF] =	sst s6  }
0xf: {  	[smem:$0x3FB0] =	sst s7  }
0x10: {  	[smem:$0x3FB1] =	sst s8  }
0x11: {  	[smem:$0x3FB2] =	sst s9;
	s0 =	simm.s32 @!p0 $0x0  }
0x12: {  	s1 =	sld [smem:$0x3F98];
	s0 =	simm.s32 @p0 $0x1  }
0x13: {  	[smem:$0x3FB3] =	sst s0;
	s0 =	simm.s32 @!p1 $0x0  }
0x14: {  	s2 =	sld [smem:$0x3F97];
	s0 =	simm.s32 @p1 $0x1  }
0x15: {  	[smem:$0x3FB4] =	sst s0;
	s0 =	simm.s32 @!p2 $0x0  }
0x16: {  	s3 =	sld [smem:$0x3FDB];
	s0 =	simm.s32 @p2 $0x1  }
0x17: {  	s4 =	simm.s32 $0x1BF5;
	[smem:$0x3FB6] =	sst s0  }
0x18: {  	s0 =	sld [smem:$0x3F99];
	_ =	swait.ge [sflag:s4], $0x0  }
0x19: {  	s7 =	sld [smem:$0x3F9A]  }
0x1a: {  	s8 =	sadd.s32 $0xFFFFE003, lr  }
0x1b: {  	s9 =	sadd.s32 $0xFFFFFEF7, lr;
	s5 =	simm.s32 $0xFFFFFFFF;
	p2 =	slt.u32 s8, $0xFFFFF086  }
0x1c: {  	p1 =	slt.u32 s9, $0xF7A;
	s5 =	simm.s32 @!p2 $0x0  }
0x1d: {  	s5 =	simm.s32 @p1 $0x1;
	p0 =	seq.s32 s7, s2  }
0x1e: {  	s7 =	smul.u32 @!p0 $0xF7A, s2;
	p2 =	seq.s32 @!p0 s5, $0x0  }
0x1f: {  	s9 =	smul.u32 $0xF7A, s1;
	s8 =	simm.s32 @!p0 $0x1BF5;
	p2 =	por !p2, p0  }
0x20: {  	[sflag:s8] =	ssyncset.s32 @!p0 $0xFFFFF086;
	s6 =	sadd.s32 @!p0 s3, s7;
	s7 =	simm.s32 @!p0 $0x108  }
0x21: {  	s3 =	sadd.s32 s3, s9;
	s6 =	sadd.s32 @!p0 $0x88, s6;
	s7 =	simm.s32 @p2 $0x1082  }
0x22: {  	[simem:s7], [sflag:s8] =	dma.local @!p0 [hbm:s6], $0xF7A  }
0x23: {  	s9 =	sor.u32 $0xD0000000, s2;
	s6 =	simm.s32 $0x108;
	_ =	swait.ge @!p0 [sflag:s8], $0x0  }
0x24: {  	s3 =	sadd.s32 $0x88, s3;
	s6 =	simm.s32 @!p1 $0x1082;
	[sflag:s4] =	ssyncset.s32 $0xFFFFF086  }
0x25: {  	[simem:s6], [sflag:s4] =	dma.local [hbm:s3], $0xF7A  }
0x26: {  	[smem:$0x3F9A] =	sst s1;
	(tag) =	ssettag s2;
	_ =	strace s9  }
0x27: {  	s1 =	sld [smem:$0x3FAA]  }
0x28: {  	s2 =	sld [smem:$0x3FAB]  }
0x29: {  	s4 =	sld [smem:$0x3FAD]  }
0x2a: {  	p0 =	seq.s32 s5, $0x0;
	s5 =	sld [smem:$0x3FAE]  }
0x2b: {  	s6 =	sld [smem:$0x3FAF]  }
0x2c: {  	s7 =	sld [smem:$0x3FB0]  }
0x2d: {  	s3 =	simm.s32 $0x108;
	s8 =	sld [smem:$0x3FB1]  }
0x2e: {  	s3 =	simm.s32 @!p0 $0x1082;
	s9 =	sld [smem:$0x3FB2]  }
0x2f: {  	lr =	sadd.s32 s0, s3;
	s0 =	sld [smem:$0x3FA9]  }
0x30: {  	s3 =	sld [smem:$0x3FAC]  }
0x31: {  	[smem:$0x3FB5] =	sst s10  }
0x32: {  	s10 =	sld [smem:$0x3FB3];
	_ =	sdelay $0x3  }
0x33: {  	p0 =	seq.s32 s10, $0x1;
	s10 =	sld [smem:$0x3FB5];
	_ =	sdelay $0x3  }
0x34: {  	[smem:$0x3FB5] =	sst s10  }
0x35: {  	s10 =	sld [smem:$0x3FB4];
	_ =	sdelay $0x3  }
0x36: {  	p1 =	seq.s32 s10, $0x1;
	s10 =	sld [smem:$0x3FB5];
	_ =	sdelay $0x3  }
0x37: {  	[smem:$0x3FB5] =	sst s10  }
0x38: {  	s10 =	sld [smem:$0x3FB6]  }
0x39: {  	_ = 	snop;
	(pc) =	sbr.ind lr, $3  }
0x3a: {  	_ = 	snop  }
0x3b: {  	_ = 	snop  }
0x3c: {  	p2 =	seq.s32 s10, $0x1;
	s10 =	sld [smem:$0x3FB5]  }
0x3d: {  	_ =	shalt  }
0x3e: {  	_ =	shalt  }
0x3f: {  	_ =	shalt  }
0x40: {  	_ =	shalt  }
0x41: {  	_ =	shalt  }
0x42: {  	_ =	shalt  }
0x43: {  	_ =	shalt  }
0x44: {  	_ =	shalt  }
0x45: {  	_ =	shalt  }
0x46: {  	_ =	shalt  }
0x47: {  	_ =	shalt  }
0x48: {  	_ =	shalt  }
0x49: {  	_ =	shalt  }
0x4a: {  	_ =	shalt  }
0x4b: {  	_ =	shalt  }
0x4c: {  	_ =	shalt  }
0x4d: {  	_ =	shalt  }
0x4e: {  	_ =	shalt  }
0x4f: {  	_ =	shalt  }
0x50: {  	_ =	shalt  }
0x51: {  	_ =	shalt  }
0x52: {  	_ =	shalt  }
0x53: {  	_ =	shalt  }
0x54: {  	_ =	shalt  }
0x55: {  	_ =	shalt  }
0x56: {  	_ =	shalt  }
0x57: {  	_ =	shalt  }
0x58: {  	_ =	shalt  }
0x59: {  	_ =	shalt  }
0x5a: {  	_ =	shalt  }
0x5b: {  	_ =	shalt  }
0x5c: {  	_ =	shalt  }
0x5d: {  	_ =	shalt  }
0x5e: {  	_ =	shalt  }
0x5f: {  	_ =	shalt  }
0x60: {  	_ =	shalt  }
0x61: {  	_ =	shalt  }
0x62: {  	_ =	shalt  }
0x63: {  	_ =	shalt  }
0x64: {  	_ =	shalt  }
0x65: {  	_ =	shalt  }
0x66: {  	_ =	shalt  }
0x67: {  	_ =	shalt  }
0x68: {  	_ =	shalt  }
0x69: {  	_ =	shalt  }
0x6a: {  	_ =	shalt  }
0x6b: {  	_ =	shalt  }
0x6c: {  	_ =	shalt  }
0x6d: {  	_ =	shalt  }
0x6e: {  	_ =	shalt  }
0x6f: {  	_ =	shalt  }
0x70: {  	_ =	shalt  }
0x71: {  	_ =	shalt  }
0x72: {  	_ =	shalt  }
0x73: {  	_ =	shalt  }
0x74: {  	_ =	shalt  }
0x75: {  	_ =	shalt  }
0x76: {  	_ =	shalt  }
0x77: {  	_ =	shalt  }
0x78: {  	_ =	shalt  }
0x79: {  	_ =	shalt  }
0x7a: {  	_ =	shalt  }
0x7b: {  	_ =	shalt  }
0x7c: {  	_ =	shalt  }
0x7d: {  	_ =	shalt  }
0x7e: {  	_ =	shalt  }
0x7f: {  	_ =	shalt  }
0x80: {  	_ =	shalt  }
0x81: {  	_ =	shalt  }
0x82: {  	_ =	shalt  }
0x83: {  	_ =	shalt  }
0x84: {  	_ =	shalt  }
0x85: {  	_ =	shalt  }
0x86: {  	_ =	shalt  }
0x87: {  	_ =	shalt  }
.Lfunc_end0:
.L_simem_size_0:
called_computation.1_lowered:
.L_overlay_start_0:
0x88: {  	s2 =	sld [smem:$0x3FD9]  }
0x89: {  	s3 =	sld [smem:$0x3FFE];
	_ =	sdelay $0x1  }
0x8a: {  	s1 =	srdreg.scid  }
0x8b: {  	s0 =	sand.u32 $0x1, s1  }
0x8c: {  	s17 =	sshll.u32 s0, $0xA;
	s2 =	sadd.s32 s3, s2  }
0x8d: {  	s2 =	sadd.s32 s2, s17  }
0x8e: {  	[smem:$0x3FC1] =	sst s2  }
0x8f: {  	_ = 	snop  }
0x90: {  	s2 =	sld [smem:$0x3FD0];
	(tm) =	ssettm $0x1  }
0x91: {  	s18 =	sld [smem:$0x3FFB];
	_ =	sdelay $0x3  }
0x92: {  	_ =	strace s18  }
0x93: {  	s3 =	sld [smem:$0x3FFC];
	_ =	sdelay $0x3  }
0x94: {  	_ =	strace s3  }
0x95: {  	s3 =	sld [smem:$0x3FFD];
	_ =	sdelay $0x3  }
0x96: {  	_ =	strace s3  }
0x97: {  	_ =	strace $0x8FFFFFFF  }
0x98: {  	s19 =	sld [smem:$0x3FDB];
	_ =	sdelay $0x1  }
0x99: {  	s4 =	simm.s32 $_scs_section_size  }
0x9a: {  	s5 =	simm.s32 $_size__tile_overlayer_lowered;
	s6 =	simm.s32 $_tile_overlayer_lowered  }
0x9b: {  	s22 =	simm.s32 $0x1BFF;
	s21 =	sshll.u32 s6, $0x1;
	s3 =	sadd.s32 s4, s19  }
0x9c: {  	s7 =	simm.s32 $0x0;
	s20 =	sshll.u32 s5, $0x1;
	s5 =	sadd.s32 s21, s3  }
0x9d: {  	[timem:s7], [sflag:s22] =	dma.local [hbm:s5], s20  }
0x9e: {  	_ =	swait.ge [sflag:s22], s20  }
0x9f: {  	s4 =	ssub.s32 $0x0, s20;
	[sflag:s22] =	ssyncset.done $0x0  }
0xa0: {  	[sflag:s22] =	ssyncadd.s32 s4;
	_ =	sdelay $0x1  }
0xa1: {  	s23 =	simm.s32 $0x1B8B  }
0xa2: {  	_ =	swait.ge [sflag:s23], $0x1  }
0xa3: {  	[sflag:s23] =	ssyncset.done $0x0  }
0xa4: {  	s25 =	simm.s32 $0x1B8E;
	s24 =	sld [smem:$0x3FFE];
	[sflag:s23] =	ssyncadd.s32 $0xFFFFFFFF  }
0xa5: {  	s26 =	simm.s32 $execute0_lowered;
	[smem:$0x3FD2] =	sst s25  }
0xa6: {  	s5 =	sshll.u32 s26, $0x1;
	_ =	strace $0x80000049;
	[dreg:$0x1] =	wrdreg $0xFFFFFFFF  }
0xa7: {  	s28 =	simm.s32 $_size_execute0_lowered;
	s3 =	sadd.s32 s3, s5;
	[dreg:$0x0] =	wrdreg $0x0  }
0xa8: {  	s5 =	sshll.u32 s28, $0x1;
	[dreg:$0x2] =	wrdreg s3  }
0xa9: {  	[dreg:$0x3] =	wrdreg s5  }
0xaa: {  	[dreg:$0x4] =	wrdreg $0xC0  }
0xab: {  	_ =	task [dreg:s7], $0x5FFFF  }
0xac: {  	[dreg:$0x1] =	wrdreg $0xFFFFFFFF  }
0xad: {  	[dreg:$0x0] =	wrdreg $0x60  }
0xae: {  	[dreg:$0x2] =	wrdreg s24  }
0xaf: {  	[dreg:$0x3] =	wrdreg s2  }
0xb0: {  	[dreg:$0x4] =	wrdreg $0x9  }
0xb1: {  	_ =	task.clear_ibuf [dreg:s7], $0x5FFFF;
	_ =	strace $0x90000049  }
0xb2: {  	s29 =	simm.s32 $0x9;
	_ =	strace $0x8000004B  }
0xb3: {  	_ =	swait.ge [sflag:s29], $0x1  }
0xb4: {  	[sflag:s29] =	ssyncadd.s32 $0xFFFFFFFF  }
0xb5: {  	_ =	strace $0x9000004B  }
0xb6: {  	_ =	sfence  }
0xb7: {  	s30 =	sld [smem:$0x0];
	_ =	sdelay $0x2  }
0xb8: {  	s31 =	sshll.u32 s1, $0xD;
	s1 =	sshrl.u32 s1, $0x2  }
0xb9: {  	s3 =	sand.u32 $0x4000, s31;
	s1 =	sadd.s32 s1, s30  }
0xba: {  	s0 =	sor.u32 s3, s0;
	s1 =	sshll.u32 s1, $0x11  }
0xbb: {  	s0 =	sor.u32 s1, s0  }
0xbc: {  	s0 =	sadd.s32 $0x8F2B, s0  }
0xbd: {  	[sflag:s0] =	ssyncadd.remote.s32 $0x1  }
0xbe: {  	_ =	sfence.sel $0xFFFF  }
0xbf: {  	[dreg:$0x0] =	wrdreg $0xFFFFFFFF;
	(pc) =	sbr.abs _section_cstart, $3  }
0xc0: {  	[dreg:$0x1] =	wrdreg $0xFFFFFFFF  }
0xc1: {  	_ =	task.clear_ibuf [dreg:s7], $0x2FFFF;
	_ =	strace $0x9FFFFFFF  }
0xc2: {  	(tm) =	ssettm $0x7FFFFFFF  }
0xc3: {  	_ =	shalt  }
tec
execute0_lowered:
.L_overlay_start_1:
0x0: {  	(tag) =	ssettag $0x1  }
0x1: {  	s0 =	rddreg [dreg:$0x0]  }
0x2: {  	s1 =	rddreg [dreg:$0x1]  }
0x3: {  	s2 =	srdreg.scid;
	s4 =	stileid.u32;
	s18 =	simm.s32 $0x1  }
0x4: {  	s20 =	simm.s32 $0x880;
	s21 =	simm.s32 $0x1080;
	s28 =	simm.s32 $0x4080  }
0x5: {  	s29 =	simm.s32 $0x4880;
	s30 =	simm.s32 $0x5080;
	s31 =	simm.s32 $0x5880  }
0x6: {  	s11 =	simm.s32 $0x7880;
	s12 =	simm.s32 $0x8080;
	s13 =	simm.s32 $0x8880  }
0x7: {  	s14 =	simm.s32 $0x9080;
	s15 =	simm.s32 $0x9880;
	s16 =	simm.s32 $0xA080  }
0x8: {  	s17 =	simm.s32 $0xA880;
	s3 =	sand.u32 $0x1, s2;
	s2 =	simm.s32 $0x0  }
0x9: {  	s4 =	sshll.u32 s4, $0x8;
	s6 =	sadd.s32 $0xC1C00, s0;
	s5 =	sshll.u32 s3, $0x7  }
0xa: {  	[smem:$0x7FF] =	sst s2;
	s22 =	ssub.s32 $0x2, s3;
	s3 =	sadd.s32 $0x1A00, s0  }
0xb: {  	s5 =	sor.u32 s5, s4;
	_ =	strace $0x8000004A;
	s7 =	sshrl.u32 s22, $0x1  }
0xc: {  	s4 =	sadd.s32 $0x1B00, s0;
	s23 =	sshrl.u32 s5, $0x3;
	s7 =	ssub.s32 s22, s7  }
0xd: {  	s24 =	sshll.u32 s5, $0x7;
	s9 =	sor.u32 $0x40, s5;
	s5 =	sadd.s32 $0x1C00, s0  }
0xe: {  	s22 =	simm.s32 $0x1880;
	s8 =	sadd.s32 s6, s23;
	s10 =	sshrl.u32 s9, $0x3  }
0xf: {  	s9 =	sshll.u32 s9, $0x7;
	s7 =	smax.u32 s7, $0x1;
	s23 =	simm.s32 $0x2080  }
0x10: {  	[dreg:$0x3] =	wrdreg s8;
	s8 =	sadd.s32 s1, s24;
	s25 =	sadd.s32 s6, s10  }
0x11: {  	s6 =	sadd.s32 $0x1D00, s0;
	s26 =	sadd.s32 s1, s9;
	[dreg:$0x4] =	wrdreg s8  }
0x12: {  	v2 =	vlaneseq.u32;
	s0 =	simm.s32 $0x80;
	s24 =	simm.s32 $0x2880;
	[dreg:$0x5] =	wrdreg s25  }
0x13: {  	vm0 =	vmmov $0xffff;
	v1 =	vshrl.u32 v2, $0x3;
	s10 =	simm.s32 $0x7080;
	s9 =	simm.s32 $0xB080;
	[dreg:$0x6] =	wrdreg s26  }
0x14: {  	v0 =	vand.u32 $0x7, v2;
	v2 =	vor.u32 $0x8, v2;
	v1 =	vmul.u32 $0x8, v1;
	s8 =	simm.s32 $0x2;
	s25 =	simm.s32 $0x3080;
	s26 =	simm.s32 $0x3880  }
.LBB2_1:
0x15: {  	s19 =	rddreg [dreg:$0x3]  }
0x16: {  	[tilespmem:s2], [sflag:$0x2] =	stream.linear.gather [hbm4b:s19+s2], $0x40, $0x38;
	[tilespmem:$0x10080] =	vst v63  }
0x17: {  	_ =	swait.ge [sflag:s8], $0x40  }
0x18: {  	[sflag:s8] =	ssyncset.done $0x0  }
0x19: {  	[sflag:s8] =	ssyncadd.s32 $0xFFFFFFC0  }
0x1a: {  	v3 =	vld [tilespmem:$0x0];
	_ =	sdelay $0x4  }
0x1b: {  	v4 =	vshll.u32 v3, $0x3  }
0x1c: {  	v3 =	vand.u32 $0x7, v3;
	v4 =	vand.u32 $0xFFFFFFC0, v4  }
0x1d: {  	v3 =	vor.u32 v3, v4  }
0x1e: {  	v4 =	vperm.xlane v3, v0;
	_ =	sdelay $0x1  }
0x1f: {  	v4 =	vadd.s32 v1, v4;
	_ =	sdelay $0x4  }
0x20: {  	[tilespmem:s0], [sflag:$0x1] =	stream.indirect_vreg.gather [hbm4b:s3+s2], $0x80, v4, vm0, $0xb8;
	[tilespmem:$0x10080] =	vst v63  }
0x21: {  	v3 =	vperm.xlane v3, v2  }
0x22: {  	[tilespmem:s20], [sflag:$0x1] =	stream.indirect_vreg.gather [hbm4b:s4+s2], $0x80, v4, vm0, $0xb8;
	[tilespmem:$0x10080] =	vst v63  }
0x23: {  	v3 =	vadd.s32 v1, v3  }
0x24: {  	[tilespmem:s21], [sflag:$0x1] =	stream.indirect_vreg.gather [hbm4b:s5+s2], $0x80, v4, vm0, $0xb8;
	[tilespmem:$0x10080] =	vst v63  }
0x25: {  	_ = 	snop  }
0x26: {  	[tilespmem:s22], [sflag:$0x1] =	stream.indirect_vreg.gather [hbm4b:s6+s2], $0x80, v4, vm0, $0xb8;
	[tilespmem:$0x10080] =	vst v63  }
0x27: {  	_ = 	snop  }
0x28: {  	[tilespmem:s23], [sflag:$0x1] =	stream.indirect_vreg.gather [hbm4b:s3+s2], $0x80, v3, vm0, $0xb8;
	[tilespmem:$0x10080] =	vst v63  }
0x29: {  	_ = 	snop  }
0x2a: {  	[tilespmem:s24], [sflag:$0x1] =	stream.indirect_vreg.gather [hbm4b:s4+s2], $0x80, v3, vm0, $0xb8;
	[tilespmem:$0x10080] =	vst v63  }
0x2b: {  	_ = 	snop  }
0x2c: {  	[tilespmem:s25], [sflag:$0x1] =	stream.indirect_vreg.gather [hbm4b:s5+s2], $0x80, v3, vm0, $0xb8;
	[tilespmem:$0x10080] =	vst v63  }
0x2d: {  	_ = 	snop  }
0x2e: {  	[tilespmem:s26], [sflag:$0x1] =	stream.indirect_vreg.gather [hbm4b:s6+s2], $0x80, v3, vm0, $0xb8;
	[tilespmem:$0x10080] =	vst v63  }
0x2f: {  	v3 =	vld [tilespmem:$0x10];
	_ =	sdelay $0x4  }
0x30: {  	v57 =	vshll.u32 v3, $0x3  }
0x31: {  	v3 =	vand.u32 $0x7, v3;
	v4 =	vand.u32 $0xFFFFFFC0, v57  }
0x32: {  	v3 =	vor.u32 v3, v4  }
0x33: {  	v4 =	vperm.xlane v3, v0;
	_ =	sdelay $0x1  }
0x34: {  	v4 =	vadd.s32 v1, v4;
	_ =	sdelay $0x4  }
0x35: {  	[tilespmem:s28], [sflag:$0x1] =	stream.indirect_vreg.gather [hbm4b:s3+s2], $0x80, v4, vm0, $0xb8;
	[tilespmem:$0x10080] =	vst v63  }
0x36: {  	v3 =	vperm.xlane v3, v2  }
0x37: {  	[tilespmem:s29], [sflag:$0x1] =	stream.indirect_vreg.gather [hbm4b:s4+s2], $0x80, v4, vm0, $0xb8;
	[tilespmem:$0x10080] =	vst v63  }
0x38: {  	v3 =	vadd.s32 v1, v3  }
0x39: {  	[tilespmem:s30], [sflag:$0x1] =	stream.indirect_vreg.gather [hbm4b:s5+s2], $0x80, v4, vm0, $0xb8;
	[tilespmem:$0x10080] =	vst v63  }
0x3a: {  	_ = 	snop  }
0x3b: {  	[tilespmem:s31], [sflag:$0x1] =	stream.indirect_vreg.gather [hbm4b:s6+s2], $0x80, v4, vm0, $0xb8;
	[tilespmem:$0x10080] =	vst v63  }
0x3c: {  	s1 =	simm.s32 $0x6080  }
0x3d: {  	[tilespmem:s1], [sflag:$0x1] =	stream.indirect_vreg.gather [hbm4b:s3+s2], $0x80, v3, vm0, $0xb8;
	[tilespmem:$0x10080] =	vst v63  }
0x3e: {  	s1 =	simm.s32 $0x6880  }
0x3f: {  	[tilespmem:s1], [sflag:$0x1] =	stream.indirect_vreg.gather [hbm4b:s4+s2], $0x80, v3, vm0, $0xb8;
	[tilespmem:$0x10080] =	vst v63  }
0x40: {  	_ = 	snop  }
0x41: {  	[tilespmem:s10], [sflag:$0x1] =	stream.indirect_vreg.gather [hbm4b:s5+s2], $0x80, v3, vm0, $0xb8;
	[tilespmem:$0x10080] =	vst v63  }
0x42: {  	_ = 	snop  }
0x43: {  	[tilespmem:s11], [sflag:$0x1] =	stream.indirect_vreg.gather [hbm4b:s6+s2], $0x80, v3, vm0, $0xb8;
	[tilespmem:$0x10080] =	vst v63  }
0x44: {  	v3 =	vld [tilespmem:$0x20];
	_ =	sdelay $0x4  }
0x45: {  	v58 =	vshll.u32 v3, $0x3  }
0x46: {  	v3 =	vand.u32 $0x7, v3;
	v4 =	vand.u32 $0xFFFFFFC0, v58  }
0x47: {  	v3 =	vor.u32 v3, v4  }
0x48: {  	v4 =	vperm.xlane v3, v0;
	_ =	sdelay $0x1  }
0x49: {  	v4 =	vadd.s32 v1, v4;
	_ =	sdelay $0x4  }
0x4a: {  	[tilespmem:s12], [sflag:$0x1] =	stream.indirect_vreg.gather [hbm4b:s3+s2], $0x80, v4, vm0, $0xb8;
	[tilespmem:$0x10080] =	vst v63  }
0x4b: {  	v3 =	vperm.xlane v3, v2  }
0x4c: {  	[tilespmem:s13], [sflag:$0x1] =	stream.indirect_vreg.gather [hbm4b:s4+s2], $0x80, v4, vm0, $0xb8;
	[tilespmem:$0x10080] =	vst v63  }
0x4d: {  	v3 =	vadd.s32 v1, v3  }
0x4e: {  	[tilespmem:s14], [sflag:$0x1] =	stream.indirect_vreg.gather [hbm4b:s5+s2], $0x80, v4, vm0, $0xb8;
	[tilespmem:$0x10080] =	vst v63  }
0x4f: {  	_ = 	snop  }
0x50: {  	[tilespmem:s15], [sflag:$0x1] =	stream.indirect_vreg.gather [hbm4b:s6+s2], $0x80, v4, vm0, $0xb8;
	[tilespmem:$0x10080] =	vst v63  }
0x51: {  	_ = 	snop  }
0x52: {  	[tilespmem:s16], [sflag:$0x1] =	stream.indirect_vreg.gather [hbm4b:s3+s2], $0x80, v3, vm0, $0xb8;
	[tilespmem:$0x10080] =	vst v63  }
0x53: {  	_ = 	snop  }
0x54: {  	[tilespmem:s17], [sflag:$0x1] =	stream.indirect_vreg.gather [hbm4b:s4+s2], $0x80, v3, vm0, $0xb8;
	[tilespmem:$0x10080] =	vst v63  }
0x55: {  	_ = 	snop  }
0x56: {  	[tilespmem:s9], [sflag:$0x1] =	stream.indirect_vreg.gather [hbm4b:s5+s2], $0x80, v3, vm0, $0xb8;
	[tilespmem:$0x10080] =	vst v63  }
0x57: {  	s19 =	simm.s32 $0xB880  }
0x58: {  	[tilespmem:s19], [sflag:$0x1] =	stream.indirect_vreg.gather [hbm4b:s6+s2], $0x80, v3, vm0, $0xb8;
	[tilespmem:$0x10080] =	vst v63  }
0x59: {  	v3 =	vld [tilespmem:$0x30];
	_ =	sdelay $0x4  }
0x5a: {  	v59 =	vshll.u32 v3, $0x3  }
0x5b: {  	v3 =	vand.u32 $0x7, v3;
	v4 =	vand.u32 $0xFFFFFFC0, v59  }
0x5c: {  	v3 =	vor.u32 v3, v4  }
0x5d: {  	v4 =	vperm.xlane v3, v0;
	_ =	sdelay $0x1  }
0x5e: {  	v4 =	vadd.s32 v1, v4;
	_ =	sdelay $0x3  }
0x5f: {  	s19 =	simm.s32 $0xC080  }
0x60: {  	[tilespmem:s19], [sflag:$0x1] =	stream.indirect_vreg.gather [hbm4b:s3+s2], $0x80, v4, vm0, $0xb8;
	[tilespmem:$0x10080] =	vst v63  }
0x61: {  	v3 =	vperm.xlane v3, v2;
	s19 =	simm.s32 $0xC880  }
0x62: {  	[tilespmem:s19], [sflag:$0x1] =	stream.indirect_vreg.gather [hbm4b:s4+s2], $0x80, v4, vm0, $0xb8;
	[tilespmem:$0x10080] =	vst v63  }
0x63: {  	v3 =	vadd.s32 v1, v3;
	s19 =	simm.s32 $0xD080  }
0x64: {  	[tilespmem:s19], [sflag:$0x1] =	stream.indirect_vreg.gather [hbm4b:s5+s2], $0x80, v4, vm0, $0xb8;
	[tilespmem:$0x10080] =	vst v63  }
0x65: {  	s19 =	simm.s32 $0xD880  }
0x66: {  	[tilespmem:s19], [sflag:$0x1] =	stream.indirect_vreg.gather [hbm4b:s6+s2], $0x80, v4, vm0, $0xb8;
	[tilespmem:$0x10080] =	vst v63  }
0x67: {  	s19 =	simm.s32 $0xE080  }
0x68: {  	[tilespmem:s19], [sflag:$0x1] =	stream.indirect_vreg.gather [hbm4b:s3+s2], $0x80, v3, vm0, $0xb8;
	[tilespmem:$0x10080] =	vst v63  }
0x69: {  	s19 =	simm.s32 $0xE880  }
0x6a: {  	[tilespmem:s19], [sflag:$0x1] =	stream.indirect_vreg.gather [hbm4b:s4+s2], $0x80, v3, vm0, $0xb8;
	[tilespmem:$0x10080] =	vst v63  }
0x6b: {  	s19 =	simm.s32 $0xF080  }
0x6c: {  	[tilespmem:s19], [sflag:$0x1] =	stream.indirect_vreg.gather [hbm4b:s5+s2], $0x80, v3, vm0, $0xb8;
	[tilespmem:$0x10080] =	vst v63  }
0x6d: {  	s19 =	simm.s32 $0xF880  }
0x6e: {  	[tilespmem:s19], [sflag:$0x1] =	stream.indirect_vreg.gather [hbm4b:s6+s2], $0x80, v3, vm0, $0xb8;
	[tilespmem:$0x10080] =	vst v63  }
0x6f: {  	_ =	swait.ge [sflag:s18], $0x10000  }
0x70: {  	[sflag:s18] =	ssyncset.done $0x0  }
0x71: {  	s19 =	rddreg [dreg:$0x4];
	[sflag:s18] =	ssyncadd.s32 $0xFFFF0000  }
0x72: {  	[hbm4b:s19+s2] =	stream.linear.scatter [tilespmem:s0], [sflag:$0x2], $0x10000, $0x38;
	[tilespmem:$0x10080] =	vst v63  }
0x73: {  	_ =	swait.ge [sflag:s8], $0x10000  }
0x74: {  	[sflag:s8] =	ssyncset.done $0x0  }
0x75: {  	s19 =	rddreg [dreg:$0x5];
	[sflag:s8] =	ssyncadd.s32 $0xFFFF0000  }
0x76: {  	[tilespmem:s2], [sflag:$0x2] =	stream.linear.gather [hbm4b:s19+s2], $0x40, $0x38;
	[tilespmem:$0x10080] =	vst v63  }
0x77: {  	_ =	swait.ge [sflag:s8], $0x40  }
0x78: {  	[sflag:s8] =	ssyncset.done $0x0  }
0x79: {  	[sflag:s8] =	ssyncadd.s32 $0xFFFFFFC0  }
0x7a: {  	v3 =	vld [tilespmem:$0x0];
	_ =	sdelay $0x4  }
0x7b: {  	v60 =	vshll.u32 v3, $0x3  }
0x7c: {  	v3 =	vand.u32 $0x7, v3;
	v4 =	vand.u32 $0xFFFFFFC0, v60  }
0x7d: {  	v3 =	vor.u32 v3, v4  }
0x7e: {  	v4 =	vperm.xlane v3, v0;
	_ =	sdelay $0x1  }
0x7f: {  	v4 =	vadd.s32 v1, v4;
	_ =	sdelay $0x4  }
0x80: {  	[tilespmem:s0], [sflag:$0x1] =	stream.indirect_vreg.gather [hbm4b:s3+s2], $0x80, v4, vm0, $0xb8;
	[tilespmem:$0x10080] =	vst v63  }
0x81: {  	v3 =	vperm.xlane v3, v2  }
0x82: {  	[tilespmem:s20], [sflag:$0x1] =	stream.indirect_vreg.gather [hbm4b:s4+s2], $0x80, v4, vm0, $0xb8;
	[tilespmem:$0x10080] =	vst v63  }
0x83: {  	v3 =	vadd.s32 v1, v3  }
0x84: {  	[tilespmem:s21], [sflag:$0x1] =	stream.indirect_vreg.gather [hbm4b:s5+s2], $0x80, v4, vm0, $0xb8;
	[tilespmem:$0x10080] =	vst v63  }
0x85: {  	_ = 	snop  }
0x86: {  	[tilespmem:s22], [sflag:$0x1] =	stream.indirect_vreg.gather [hbm4b:s6+s2], $0x80, v4, vm0, $0xb8;
	[tilespmem:$0x10080] =	vst v63  }
0x87: {  	_ = 	snop  }
0x88: {  	[tilespmem:s23], [sflag:$0x1] =	stream.indirect_vreg.gather [hbm4b:s3+s2], $0x80, v3, vm0, $0xb8;
	[tilespmem:$0x10080] =	vst v63  }
0x89: {  	_ = 	snop  }
0x8a: {  	[tilespmem:s24], [sflag:$0x1] =	stream.indirect_vreg.gather [hbm4b:s4+s2], $0x80, v3, vm0, $0xb8;
	[tilespmem:$0x10080] =	vst v63  }
0x8b: {  	_ = 	snop  }
0x8c: {  	[tilespmem:s25], [sflag:$0x1] =	stream.indirect_vreg.gather [hbm4b:s5+s2], $0x80, v3, vm0, $0xb8;
	[tilespmem:$0x10080] =	vst v63  }
0x8d: {  	_ = 	snop  }
0x8e: {  	[tilespmem:s26], [sflag:$0x1] =	stream.indirect_vreg.gather [hbm4b:s6+s2], $0x80, v3, vm0, $0xb8;
	[tilespmem:$0x10080] =	vst v63  }
0x8f: {  	v3 =	vld [tilespmem:$0x10];
	_ =	sdelay $0x4  }
0x90: {  	v61 =	vshll.u32 v3, $0x3  }
0x91: {  	v3 =	vand.u32 $0x7, v3;
	v4 =	vand.u32 $0xFFFFFFC0, v61  }
0x92: {  	v3 =	vor.u32 v3, v4  }
0x93: {  	v4 =	vperm.xlane v3, v0;
	_ =	sdelay $0x1  }
0x94: {  	v4 =	vadd.s32 v1, v4;
	_ =	sdelay $0x4  }
0x95: {  	[tilespmem:s28], [sflag:$0x1] =	stream.indirect_vreg.gather [hbm4b:s3+s2], $0x80, v4, vm0, $0xb8;
	[tilespmem:$0x10080] =	vst v63  }
0x96: {  	v3 =	vperm.xlane v3, v2  }
0x97: {  	[tilespmem:s29], [sflag:$0x1] =	stream.indirect_vreg.gather [hbm4b:s4+s2], $0x80, v4, vm0, $0xb8;
	[tilespmem:$0x10080] =	vst v63  }
0x98: {  	v3 =	vadd.s32 v1, v3  }
0x99: {  	[tilespmem:s30], [sflag:$0x1] =	stream.indirect_vreg.gather [hbm4b:s5+s2], $0x80, v4, vm0, $0xb8;
	[tilespmem:$0x10080] =	vst v63  }
0x9a: {  	_ = 	snop  }
0x9b: {  	[tilespmem:s31], [sflag:$0x1] =	stream.indirect_vreg.gather [hbm4b:s6+s2], $0x80, v4, vm0, $0xb8;
	[tilespmem:$0x10080] =	vst v63  }
0x9c: {  	s19 =	simm.s32 $0x6080  }
0x9d: {  	[tilespmem:s19], [sflag:$0x1] =	stream.indirect_vreg.gather [hbm4b:s3+s2], $0x80, v3, vm0, $0xb8;
	[tilespmem:$0x10080] =	vst v63  }
0x9e: {  	_ = 	snop  }
0x9f: {  	[tilespmem:s1], [sflag:$0x1] =	stream.indirect_vreg.gather [hbm4b:s4+s2], $0x80, v3, vm0, $0xb8;
	[tilespmem:$0x10080] =	vst v63  }
0xa0: {  	_ = 	snop  }
0xa1: {  	[tilespmem:s10], [sflag:$0x1] =	stream.indirect_vreg.gather [hbm4b:s5+s2], $0x80, v3, vm0, $0xb8;
	[tilespmem:$0x10080] =	vst v63  }
0xa2: {  	_ = 	snop  }
0xa3: {  	[tilespmem:s11], [sflag:$0x1] =	stream.indirect_vreg.gather [hbm4b:s6+s2], $0x80, v3, vm0, $0xb8;
	[tilespmem:$0x10080] =	vst v63  }
0xa4: {  	v3 =	vld [tilespmem:$0x20];
	_ =	sdelay $0x4  }
0xa5: {  	v62 =	vshll.u32 v3, $0x3  }
0xa6: {  	v3 =	vand.u32 $0x7, v3;
	v4 =	vand.u32 $0xFFFFFFC0, v62  }
0xa7: {  	v3 =	vor.u32 v3, v4  }
0xa8: {  	v4 =	vperm.xlane v3, v0;
	_ =	sdelay $0x1  }
0xa9: {  	v4 =	vadd.s32 v1, v4;
	_ =	sdelay $0x4  }
0xaa: {  	[tilespmem:s12], [sflag:$0x1] =	stream.indirect_vreg.gather [hbm4b:s3+s2], $0x80, v4, vm0, $0xb8;
	[tilespmem:$0x10080] =	vst v63  }
0xab: {  	v3 =	vperm.xlane v3, v2  }
0xac: {  	[tilespmem:s13], [sflag:$0x1] =	stream.indirect_vreg.gather [hbm4b:s4+s2], $0x80, v4, vm0, $0xb8;
	[tilespmem:$0x10080] =	vst v63  }
0xad: {  	v3 =	vadd.s32 v1, v3  }
0xae: {  	[tilespmem:s14], [sflag:$0x1] =	stream.indirect_vreg.gather [hbm4b:s5+s2], $0x80, v4, vm0, $0xb8;
	[tilespmem:$0x10080] =	vst v63  }
0xaf: {  	_ = 	snop  }
0xb0: {  	[tilespmem:s15], [sflag:$0x1] =	stream.indirect_vreg.gather [hbm4b:s6+s2], $0x80, v4, vm0, $0xb8;
	[tilespmem:$0x10080] =	vst v63  }
0xb1: {  	_ = 	snop  }
0xb2: {  	[tilespmem:s16], [sflag:$0x1] =	stream.indirect_vreg.gather [hbm4b:s3+s2], $0x80, v3, vm0, $0xb8;
	[tilespmem:$0x10080] =	vst v63  }
0xb3: {  	_ = 	snop  }
0xb4: {  	[tilespmem:s17], [sflag:$0x1] =	stream.indirect_vreg.gather [hbm4b:s4+s2], $0x80, v3, vm0, $0xb8;
	[tilespmem:$0x10080] =	vst v63  }
0xb5: {  	_ = 	snop  }
0xb6: {  	[tilespmem:s9], [sflag:$0x1] =	stream.indirect_vreg.gather [hbm4b:s5+s2], $0x80, v3, vm0, $0xb8;
	[tilespmem:$0x10080] =	vst v63  }
0xb7: {  	s19 =	simm.s32 $0xB880  }
0xb8: {  	[tilespmem:s19], [sflag:$0x1] =	stream.indirect_vreg.gather [hbm4b:s6+s2], $0x80, v3, vm0, $0xb8;
	[tilespmem:$0x10080] =	vst v63  }
0xb9: {  	v3 =	vld [tilespmem:$0x30];
	_ =	sdelay $0x4  }
0xba: {  	v63 =	vshll.u32 v3, $0x3  }
0xbb: {  	v3 =	vand.u32 $0x7, v3;
	v4 =	vand.u32 $0xFFFFFFC0, v63  }
0xbc: {  	v3 =	vor.u32 v3, v4  }
0xbd: {  	v4 =	vperm.xlane v3, v0;
	_ =	sdelay $0x1  }
0xbe: {  	v4 =	vadd.s32 v1, v4;
	_ =	sdelay $0x3  }
0xbf: {  	s19 =	simm.s32 $0xC080  }
0xc0: {  	[tilespmem:s19], [sflag:$0x1] =	stream.indirect_vreg.gather [hbm4b:s3+s2], $0x80, v4, vm0, $0xb8;
	[tilespmem:$0x10080] =	vst v63  }
0xc1: {  	v3 =	vperm.xlane v3, v2;
	s19 =	simm.s32 $0xC880  }
0xc2: {  	[tilespmem:s19], [sflag:$0x1] =	stream.indirect_vreg.gather [hbm4b:s4+s2], $0x80, v4, vm0, $0xb8;
	[tilespmem:$0x10080] =	vst v63  }
0xc3: {  	v3 =	vadd.s32 v1, v3;
	s19 =	simm.s32 $0xD080  }
0xc4: {  	[tilespmem:s19], [sflag:$0x1] =	stream.indirect_vreg.gather [hbm4b:s5+s2], $0x80, v4, vm0, $0xb8;
	[tilespmem:$0x10080] =	vst v63  }
0xc5: {  	s19 =	simm.s32 $0xD880  }
0xc6: {  	[tilespmem:s19], [sflag:$0x1] =	stream.indirect_vreg.gather [hbm4b:s6+s2], $0x80, v4, vm0, $0xb8;
	[tilespmem:$0x10080] =	vst v63  }
0xc7: {  	s19 =	simm.s32 $0xE080  }
0xc8: {  	[tilespmem:s19], [sflag:$0x1] =	stream.indirect_vreg.gather [hbm4b:s3+s2], $0x80, v3, vm0, $0xb8;
	[tilespmem:$0x10080] =	vst v63  }
0xc9: {  	s19 =	simm.s32 $0xE880  }
0xca: {  	[tilespmem:s19], [sflag:$0x1] =	stream.indirect_vreg.gather [hbm4b:s4+s2], $0x80, v3, vm0, $0xb8;
	[tilespmem:$0x10080] =	vst v63  }
0xcb: {  	s19 =	simm.s32 $0xF080  }
0xcc: {  	[tilespmem:s19], [sflag:$0x1] =	stream.indirect_vreg.gather [hbm4b:s5+s2], $0x80, v3, vm0, $0xb8;
	[tilespmem:$0x10080] =	vst v63  }
0xcd: {  	s19 =	simm.s32 $0xF880  }
0xce: {  	[tilespmem:s19], [sflag:$0x1] =	stream.indirect_vreg.gather [hbm4b:s6+s2], $0x80, v3, vm0, $0xb8;
	[tilespmem:$0x10080] =	vst v63  }
0xcf: {  	_ =	swait.ge [sflag:s18], $0x10000  }
0xd0: {  	p0 =	sne.s32 s7, $0x1;
	[sflag:s18] =	ssyncset.done $0x0  }
.Ltmp0:
0xd1: {  	s1 =	rddreg [dreg:$0x6];
	[sflag:s18] =	ssyncadd.s32 $0xFFFF0000;
	(pc) =	sbr.rel @p0 .LBB2_1-.Ltmp0, $4  }
0xd2: {  	[hbm4b:s1+s2] =	stream.linear.scatter [tilespmem:s0], [sflag:$0x2], $0x10000, $0x38;
	[tilespmem:$0x10080] =	vst v63  }
0xd3: {  	_ =	swait.ge [sflag:s8], $0x10000  }
0xd4: {  	[sflag:s8] =	ssyncset.done $0x0  }
0xd5: {  	s7 =	sadd.s32 $0xFFFFFFFF, s7;
	[sflag:s8] =	ssyncadd.s32 $0xFFFF0000  }
0xd6: {  	_ =	sfence.sel $0x180000  }
0xd7: {  	[bflag:$0x0] =	sbarrier.arrive $0xFFFF  }
0xd8: {  	_ =	strace $0x9000004A  }
0xd9: {  	s0 =	stileid.u32;
	[bflag:$0x2] =	sbarrier.arrive $0xFFFF  }
0xda: {  	p0 =	sne.s32 s0, $0x0;
	s0 =	rddreg [dreg:$0x2]  }
0xdb: {  	s0 =	sadd.s32 @!p0 $0x100000, s0  }
0xdc: {  	[sflag:s0] =	ssyncadd.tile.s32 @!p0 $0x1;
	_ =	shalt  }
.Lfunc_end2:
_tile_overlayer_lowered:
.L_overlay_start_2:
0xdd: {  	(tag) =	ssettag $0x2  }
0xde: {  	s0 =	rddreg [dreg:$0x0];
	s2 =	stileid.u32  }
0xdf: {  	s1 =	rddreg [dreg:$0x1];
	p0 =	sne.s32 s2, $0x0  }
0xe0: {  	s3 =	rddreg [dreg:$0x2];
	[bflag:$0x3] =	sbarrier.arrive $0xFFFF;
	s2 =	simm.s32 @!p0 $0x1C02  }
0xe1: {  	[timem:s3], [sflag:s2] =	dma.local @!p0 [hbm:s0], s1  }
0xe2: {  	s0 =	simm.s32 @!p0 $0x2  }
0xe3: {  	_ =	swait.ge @!p0 [sflag:s0], s1  }
0xe4: {  	s1 =	ssub.s32 @!p0 $0x0, s1;
	[sflag:s0] =	ssyncset.done @!p0 $0x0  }
0xe5: {  	[sflag:s0] =	ssyncadd.s32 @!p0 s1  }
0xe6: {  	[bflag:$0x3] =	sbarrier.arrive $0xFFFF  }
0xe7: {  	_ =	shalt  }

</sc_bundles>
